<compile_context>
chip_gen: v7x
topology: tpu7x:2x2x1
jax: 0.10.2.dev20260603
libtpu: 0.0.44.dev20260713+nightly
codegen_flags: <defaults>
</compile_context>

<pallas_src>
import functools

import jax
import jax.numpy as jnp
from jax import lax
from jax.experimental import pallas as pl
from jax.experimental.pallas import tpu as pltpu
from jax.experimental.pallas import tpu_sc as plsc

N = 10000
E = 320000
D = 128

NC = 2
NS = 16
CH = 80
N_PAD = 10240

E_PER_CORE = E // NC
E_PER_TILE = E_PER_CORE // NS
N_CHUNKS = E_PER_TILE // CH
ROWS_PER_TILE = N_PAD // NS
LAST_R0 = (NS - 1) * ROWS_PER_TILE
LAST_ROWS = N - LAST_R0


RING = 4


def _seg_body(x_hbm, row_hbm, col_hbm, out_hbm,
              r0v, r1v, r2v, r3v, c0v, c1v, c2v, c3v,
              b0, b1, b2, b3, agg_sh,
              sg0, sg1, sg2, sg3, sr0, sr1, sr2, sr3,
              sc0, sc1, sc2, sc3):
    cid = lax.axis_index("c")
    sid = lax.axis_index("s")

    r0 = sid * ROWS_PER_TILE
    base = cid * E_PER_CORE + sid * E_PER_TILE
    rows = (r0v, r1v, r2v, r3v)
    cols = (c0v, c1v, c2v, c3v)
    bufs = (b0, b1, b2, b3)
    gsem = (sg0, sg1, sg2, sg3)
    rsem = (sr0, sr1, sr2, sr3)
    csem = (sc0, sc1, sc2, sc3)

    gd, cd = [], []
    for k in range(RING):
        eb = base + k * CH
        pltpu.sync_copy(row_hbm.at[pl.ds(eb, CH)], rows[k])
        gd.append(pltpu.async_copy(x_hbm.at[rows[k]], bufs[k], gsem[k]))
        cd.append(pltpu.async_copy(col_hbm.at[pl.ds(eb, CH)], cols[k],
                                   csem[k]))

    @pl.when(sid < NS - 1)
    def _():
        pltpu.sync_copy(x_hbm.at[pl.ds(r0, ROWS_PER_TILE)],
                        agg_sh.at[pl.ds(r0, ROWS_PER_TILE)])

    @pl.when(sid == NS - 1)
    def _():
        pltpu.sync_copy(x_hbm.at[pl.ds(LAST_R0, LAST_ROWS)],
                        agg_sh.at[pl.ds(LAST_R0, LAST_ROWS)])

    plsc.subcore_barrier()

    def body(j, _):
        for t in range(RING):
            i = RING * j + t
            nxt = i + RING
            eb = base + nxt * CH
            live = nxt < N_CHUNKS

            gd[t].wait()
            cd[t].wait()

            @pl.when(live)
            def _():
                pltpu.async_copy(row_hbm.at[pl.ds(eb, CH)], rows[t],
                                 rsem[t])

            pltpu.sync_copy(bufs[t], agg_sh.at[cols[t]], add=True)

            @pl.when(live)
            def _():
                pltpu.make_async_copy(row_hbm.at[pl.ds(eb, CH)], rows[t],
                                      rsem[t]).wait()
                pltpu.async_copy(x_hbm.at[rows[t]], bufs[t], gsem[t])
                pltpu.async_copy(col_hbm.at[pl.ds(eb, CH)], cols[t],
                                 csem[t])
        return _

    lax.fori_loop(0, N_CHUNKS // RING, body, None)

    for t in range(N_CHUNKS % RING):
        gd[t].wait()
        cd[t].wait()
        pltpu.sync_copy(bufs[t], agg_sh.at[cols[t]], add=True)

    plsc.subcore_barrier()

    pltpu.sync_copy(agg_sh.at[pl.ds(r0, ROWS_PER_TILE)],
                    out_hbm.at[cid, pl.ds(r0, ROWS_PER_TILE)])


def _segment_partials(x, row, col):
    mesh = plsc.VectorSubcoreMesh(core_axis_name="c", subcore_axis_name="s")
    kern = functools.partial(
        pl.kernel,
        mesh=mesh,
        out_type=jax.ShapeDtypeStruct((NC, N_PAD, D), jnp.float32),
        scratch_types=(
            [pltpu.VMEM((CH,), jnp.int32)] * (2 * RING)
            + [pltpu.VMEM((CH, D), jnp.float32)] * RING
            + [pltpu.VMEM_SHARED((N_PAD, D), jnp.float32)]
            + [pltpu.SemaphoreType.DMA] * (3 * RING)
        ),
    )(_seg_body)
    return kern(x, row, col)


def _fin_body(p_ref, x_ref, w_ref, b_ref, o_ref):
    acc = p_ref[0] + p_ref[1] - x_ref[...]
    o_ref[...] = jnp.dot(acc, w_ref[...],
                         preferred_element_type=jnp.float32) + b_ref[...]


def _finish(partials, x, W, b):
    blk = 1000
    return pl.pallas_call(
        _fin_body,
        grid=(N // blk,),
        in_specs=[
            pl.BlockSpec((NC, blk, D), lambda i: (0, i, 0)),
            pl.BlockSpec((blk, D), lambda i: (i, 0)),
            pl.BlockSpec((D, D), lambda i: (0, 0)),
            pl.BlockSpec((1, D), lambda i: (0, 0)),
        ],
        out_specs=pl.BlockSpec((blk, D), lambda i: (i, 0)),
        out_shape=jax.ShapeDtypeStruct((N, D), jnp.float32),
    )(partials, x, W, b)


def kernel(x, adj, W, b):
    row = adj[0].astype(jnp.int32)
    col = adj[1].astype(jnp.int32)
    partials = _segment_partials(x, row, col)
    return _finish(partials, x, W, b[None, :])

# --- scband reference (transcript-rebuilt; emitter-appended) ---
"""Pipeline reference for scband-graph-sage-conv-26663156973805 (READ-ONLY COPY).

The authoritative reference and input builder live on the scoring server;
editing this copy changes nothing except your own understanding.
"""

import jax, jax.numpy as jnp
import numpy as np

N = 10000
E = 320000
D = 128

def setup_inputs(seed: int = 0) -> dict:
    key = jax.random.key(seed)
    k1, k2, k3, k4 = jax.random.split(key, 4)
    x = jax.random.normal(k1, (N, D), dtype=jnp.float32)
    adj = jax.random.randint(k2, (2, E), 0, N, dtype=jnp.int64)
    stdv = 1.0 / (D ** 0.5)
    W = jax.random.uniform(k3, (D, D), minval=-stdv, maxval=stdv, dtype=jnp.float32)
    b = jax.random.uniform(k4, (D,), minval=-stdv, maxval=stdv, dtype=jnp.float32)
    return {"x": x, "adj": adj, "W": W, "b": b}

def reference(x, adj, W, b):
    # support = input @ weight
    support = x @ W
    row, col = adj[0], adj[1]
    # agg.index_add_(0, col, support[row])  -> scatter-add of gathered rows
    gathered = jnp.take(support, row, axis=0)
    agg = jax.ops.segment_sum(gathered, col, num_segments=x.shape[0])
    # agg += support (self term)
    agg = agg + support
    # bias
    agg = agg + b
    return agg

if __name__ == "__main__":
    import jax
    _d = setup_inputs()
    print(jax.jit(kernel)(*tuple(_d.values())))

</pallas_src>

<mosaic_0001>
#map = affine_map<(d0, d1) -> (0, 0)>
#map1 = affine_map<(d0, d1) -> (0)>
#map2 = affine_map<(d0, d1) -> (0, 0, 0)>
module attributes {stable_mosaic.version = 14 : i64} {
  func.func @_seg_body(%arg0: i32, %arg1: i32, %arg2: memref<10000x128xf32, #tpu.memory_space<hbm>>, %arg3: memref<320000xi32, #tpu.memory_space<hbm>>, %arg4: memref<320000xi32, #tpu.memory_space<hbm>>, %arg5: memref<2x10240x128xf32, #tpu.memory_space<hbm>>, %arg6: memref<80xi32, #tpu.memory_space<vmem>>, %arg7: memref<80xi32, #tpu.memory_space<vmem>>, %arg8: memref<80xi32, #tpu.memory_space<vmem>>, %arg9: memref<80xi32, #tpu.memory_space<vmem>>, %arg10: memref<80xi32, #tpu.memory_space<vmem>>, %arg11: memref<80xi32, #tpu.memory_space<vmem>>, %arg12: memref<80xi32, #tpu.memory_space<vmem>>, %arg13: memref<80xi32, #tpu.memory_space<vmem>>, %arg14: memref<80x128xf32, #tpu.memory_space<vmem>>, %arg15: memref<80x128xf32, #tpu.memory_space<vmem>>, %arg16: memref<80x128xf32, #tpu.memory_space<vmem>>, %arg17: memref<80x128xf32, #tpu.memory_space<vmem>>, %arg18: memref<10240x128xf32, #tpu.memory_space<vmem_shared>>, %arg19: memref<!tpu.dma_semaphore, #tpu.memory_space<semaphore_mem>>, %arg20: memref<!tpu.dma_semaphore, #tpu.memory_space<semaphore_mem>>, %arg21: memref<!tpu.dma_semaphore, #tpu.memory_space<semaphore_mem>>, %arg22: memref<!tpu.dma_semaphore, #tpu.memory_space<semaphore_mem>>, %arg23: memref<!tpu.dma_semaphore, #tpu.memory_space<semaphore_mem>>, %arg24: memref<!tpu.dma_semaphore, #tpu.memory_space<semaphore_mem>>, %arg25: memref<!tpu.dma_semaphore, #tpu.memory_space<semaphore_mem>>, %arg26: memref<!tpu.dma_semaphore, #tpu.memory_space<semaphore_mem>>, %arg27: memref<!tpu.dma_semaphore, #tpu.memory_space<semaphore_mem>>, %arg28: memref<!tpu.dma_semaphore, #tpu.memory_space<semaphore_mem>>, %arg29: memref<!tpu.dma_semaphore, #tpu.memory_space<semaphore_mem>>, %arg30: memref<!tpu.dma_semaphore, #tpu.memory_space<semaphore_mem>>) attributes {dimension_semantics = [#tpu.dimension_semantics<core_parallel>, #tpu.dimension_semantics<subcore_parallel>], iteration_bounds = array<i64: 2, 16>, scalar_prefetch = 0 : i64, scratch_operands = 25 : i64, tpu.core_type = #tpu.core_type<sc_vector_subcore>, window_params = [{transform_indices = #map}, {transform_indices = #map1}, {transform_indices = #map1}, {transform_indices = #map2}]} {
    %mul3A = arith.constant 640 : i32
    %mul3A_0 = arith.muli %arg1, %mul3A : i32
    %mul3A_1 = arith.constant 160000 : i32
    %mul3A_2 = arith.muli %arg0, %mul3A_1 : i32
    %mul3A_3 = arith.constant 10000 : i32
    %mul3A_4 = arith.muli %arg1, %mul3A_3 : i32
    %add3A = arith.addi %mul3A_2, %mul3A_4 : i32
    %add3A_5 = arith.constant 0 : i32
    %add3A_6 = arith.addi %add3A, %add3A_5 : i32
    "tpu.region"() ({
      %run_scoped3A = tpu.sem_alloc : memref<!tpu.dma_semaphore, #tpu.memory_space<semaphore_mem>>
      %dma_start3A_47 = tpu.memref_slice %arg3[%add3A_6] : memref<320000xi32, #tpu.memory_space<hbm>> -> memref<80xi32, #tpu.memory_space<hbm>>
      %dma_start3A_48 = tpu.memref_slice %arg3[%add3A_6] : memref<320000xi32, #tpu.memory_space<hbm>> -> memref<80xi32, #tpu.memory_space<hbm>>
      tpu.enqueue_dma source(%dma_start3A_48 : memref<80xi32, #tpu.memory_space<hbm>>) target(%arg6 : memref<80xi32, #tpu.memory_space<vmem>>) target_semaphore(%run_scoped3A : memref<!tpu.dma_semaphore, #tpu.memory_space<semaphore_mem>>)
      %dma_wait3A_49 = tpu.memref_slice %arg3[%add3A_6] : memref<320000xi32, #tpu.memory_space<hbm>> -> memref<80xi32, #tpu.memory_space<hbm>>
      %dma_wait3A_50 = tpu.memref_slice %arg3[%add3A_6] : memref<320000xi32, #tpu.memory_space<hbm>> -> memref<80xi32, #tpu.memory_space<hbm>>
      tpu.wait_dma2 semaphore(%run_scoped3A : memref<!tpu.dma_semaphore, #tpu.memory_space<semaphore_mem>>) src(%dma_wait3A_50 : memref<80xi32, #tpu.memory_space<hbm>>) dst(%arg6 : memref<80xi32, #tpu.memory_space<vmem>>)
      tpu.yield
    }) : () -> ()
    %dma_start3A = arith.constant 0 : i32
    %dma_start3A_7 = arith.constant 0 : i32
    %dma_start3A_8 = tpu.memref_slice %arg2[%dma_start3A, %dma_start3A_7] : memref<10000x128xf32, #tpu.memory_space<hbm>> -> memref<10000x128xf32, #tpu.memory_space<hbm>>
    tpu.enqueue_indirect_dma source(%dma_start3A_8 : memref<10000x128xf32, #tpu.memory_space<hbm>>) target(%arg14 : memref<80x128xf32, #tpu.memory_space<vmem>>) offsets(%arg6 : memref<80xi32, #tpu.memory_space<vmem>>) semaphore(%arg19 : memref<!tpu.dma_semaphore, #tpu.memory_space<semaphore_mem>>)
    %dma_start3A_9 = tpu.memref_slice %arg4[%add3A_6] : memref<320000xi32, #tpu.memory_space<hbm>> -> memref<80xi32, #tpu.memory_space<hbm>>
    %dma_start3A_10 = tpu.memref_slice %arg4[%add3A_6] : memref<320000xi32, #tpu.memory_space<hbm>> -> memref<80xi32, #tpu.memory_space<hbm>>
    tpu.enqueue_dma source(%dma_start3A_10 : memref<80xi32, #tpu.memory_space<hbm>>) target(%arg10 : memref<80xi32, #tpu.memory_space<vmem>>) target_semaphore(%arg27 : memref<!tpu.dma_semaphore, #tpu.memory_space<semaphore_mem>>)
    %add3A_11 = arith.constant 80 : i32
    %add3A_12 = arith.addi %add3A, %add3A_11 : i32
    "tpu.region"() ({
      %run_scoped3A = tpu.sem_alloc : memref<!tpu.dma_semaphore, #tpu.memory_space<semaphore_mem>>
      %dma_start3A_47 = tpu.memref_slice %arg3[%add3A_12] : memref<320000xi32, #tpu.memory_space<hbm>> -> memref<80xi32, #tpu.memory_space<hbm>>
      %dma_start3A_48 = tpu.memref_slice %arg3[%add3A_12] : memref<320000xi32, #tpu.memory_space<hbm>> -> memref<80xi32, #tpu.memory_space<hbm>>
      tpu.enqueue_dma source(%dma_start3A_48 : memref<80xi32, #tpu.memory_space<hbm>>) target(%arg7 : memref<80xi32, #tpu.memory_space<vmem>>) target_semaphore(%run_scoped3A : memref<!tpu.dma_semaphore, #tpu.memory_space<semaphore_mem>>)
      %dma_wait3A_49 = tpu.memref_slice %arg3[%add3A_12] : memref<320000xi32, #tpu.memory_space<hbm>> -> memref<80xi32, #tpu.memory_space<hbm>>
      %dma_wait3A_50 = tpu.memref_slice %arg3[%add3A_12] : memref<320000xi32, #tpu.memory_space<hbm>> -> memref<80xi32, #tpu.memory_space<hbm>>
      tpu.wait_dma2 semaphore(%run_scoped3A : memref<!tpu.dma_semaphore, #tpu.memory_space<semaphore_mem>>) src(%dma_wait3A_50 : memref<80xi32, #tpu.memory_space<hbm>>) dst(%arg7 : memref<80xi32, #tpu.memory_space<vmem>>)
      tpu.yield
    }) : () -> ()
    %dma_start3A_13 = arith.constant 0 : i32
    %dma_start3A_14 = arith.constant 0 : i32
    %dma_start3A_15 = tpu.memref_slice %arg2[%dma_start3A_13, %dma_start3A_14] : memref<10000x128xf32, #tpu.memory_space<hbm>> -> memref<10000x128xf32, #tpu.memory_space<hbm>>
    tpu.enqueue_indirect_dma source(%dma_start3A_15 : memref<10000x128xf32, #tpu.memory_space<hbm>>) target(%arg15 : memref<80x128xf32, #tpu.memory_space<vmem>>) offsets(%arg7 : memref<80xi32, #tpu.memory_space<vmem>>) semaphore(%arg20 : memref<!tpu.dma_semaphore, #tpu.memory_space<semaphore_mem>>)
    %dma_start3A_16 = tpu.memref_slice %arg4[%add3A_12] : memref<320000xi32, #tpu.memory_space<hbm>> -> memref<80xi32, #tpu.memory_space<hbm>>
    %dma_start3A_17 = tpu.memref_slice %arg4[%add3A_12] : memref<320000xi32, #tpu.memory_space<hbm>> -> memref<80xi32, #tpu.memory_space<hbm>>
    tpu.enqueue_dma source(%dma_start3A_17 : memref<80xi32, #tpu.memory_space<hbm>>) target(%arg11 : memref<80xi32, #tpu.memory_space<vmem>>) target_semaphore(%arg28 : memref<!tpu.dma_semaphore, #tpu.memory_space<semaphore_mem>>)
    %add3A_18 = arith.constant 160 : i32
    %add3A_19 = arith.addi %add3A, %add3A_18 : i32
    "tpu.region"() ({
      %run_scoped3A = tpu.sem_alloc : memref<!tpu.dma_semaphore, #tpu.memory_space<semaphore_mem>>
      %dma_start3A_47 = tpu.memref_slice %arg3[%add3A_19] : memref<320000xi32, #tpu.memory_space<hbm>> -> memref<80xi32, #tpu.memory_space<hbm>>
      %dma_start3A_48 = tpu.memref_slice %arg3[%add3A_19] : memref<320000xi32, #tpu.memory_space<hbm>> -> memref<80xi32, #tpu.memory_space<hbm>>
      tpu.enqueue_dma source(%dma_start3A_48 : memref<80xi32, #tpu.memory_space<hbm>>) target(%arg8 : memref<80xi32, #tpu.memory_space<vmem>>) target_semaphore(%run_scoped3A : memref<!tpu.dma_semaphore, #tpu.memory_space<semaphore_mem>>)
      %dma_wait3A_49 = tpu.memref_slice %arg3[%add3A_19] : memref<320000xi32, #tpu.memory_space<hbm>> -> memref<80xi32, #tpu.memory_space<hbm>>
      %dma_wait3A_50 = tpu.memref_slice %arg3[%add3A_19] : memref<320000xi32, #tpu.memory_space<hbm>> -> memref<80xi32, #tpu.memory_space<hbm>>
      tpu.wait_dma2 semaphore(%run_scoped3A : memref<!tpu.dma_semaphore, #tpu.memory_space<semaphore_mem>>) src(%dma_wait3A_50 : memref<80xi32, #tpu.memory_space<hbm>>) dst(%arg8 : memref<80xi32, #tpu.memory_space<vmem>>)
      tpu.yield
    }) : () -> ()
    %dma_start3A_20 = arith.constant 0 : i32
    %dma_start3A_21 = arith.constant 0 : i32
    %dma_start3A_22 = tpu.memref_slice %arg2[%dma_start3A_20, %dma_start3A_21] : memref<10000x128xf32, #tpu.memory_space<hbm>> -> memref<10000x128xf32, #tpu.memory_space<hbm>>
    tpu.enqueue_indirect_dma source(%dma_start3A_22 : memref<10000x128xf32, #tpu.memory_space<hbm>>) target(%arg16 : memref<80x128xf32, #tpu.memory_space<vmem>>) offsets(%arg8 : memref<80xi32, #tpu.memory_space<vmem>>) semaphore(%arg21 : memref<!tpu.dma_semaphore, #tpu.memory_space<semaphore_mem>>)
    %dma_start3A_23 = tpu.memref_slice %arg4[%add3A_19] : memref<320000xi32, #tpu.memory_space<hbm>> -> memref<80xi32, #tpu.memory_space<hbm>>
    %dma_start3A_24 = tpu.memref_slice %arg4[%add3A_19] : memref<320000xi32, #tpu.memory_space<hbm>> -> memref<80xi32, #tpu.memory_space<hbm>>
    tpu.enqueue_dma source(%dma_start3A_24 : memref<80xi32, #tpu.memory_space<hbm>>) target(%arg12 : memref<80xi32, #tpu.memory_space<vmem>>) target_semaphore(%arg29 : memref<!tpu.dma_semaphore, #tpu.memory_space<semaphore_mem>>)
    %add3A_25 = arith.constant 240 : i32
    %add3A_26 = arith.addi %add3A, %add3A_25 : i32
    "tpu.region"() ({
      %run_scoped3A = tpu.sem_alloc : memref<!tpu.dma_semaphore, #tpu.memory_space<semaphore_mem>>
      %dma_start3A_47 = tpu.memref_slice %arg3[%add3A_26] : memref<320000xi32, #tpu.memory_space<hbm>> -> memref<80xi32, #tpu.memory_space<hbm>>
      %dma_start3A_48 = tpu.memref_slice %arg3[%add3A_26] : memref<320000xi32, #tpu.memory_space<hbm>> -> memref<80xi32, #tpu.memory_space<hbm>>
      tpu.enqueue_dma source(%dma_start3A_48 : memref<80xi32, #tpu.memory_space<hbm>>) target(%arg9 : memref<80xi32, #tpu.memory_space<vmem>>) target_semaphore(%run_scoped3A : memref<!tpu.dma_semaphore, #tpu.memory_space<semaphore_mem>>)
      %dma_wait3A_49 = tpu.memref_slice %arg3[%add3A_26] : memref<320000xi32, #tpu.memory_space<hbm>> -> memref<80xi32, #tpu.memory_space<hbm>>
      %dma_wait3A_50 = tpu.memref_slice %arg3[%add3A_26] : memref<320000xi32, #tpu.memory_space<hbm>> -> memref<80xi32, #tpu.memory_space<hbm>>
      tpu.wait_dma2 semaphore(%run_scoped3A : memref<!tpu.dma_semaphore, #tpu.memory_space<semaphore_mem>>) src(%dma_wait3A_50 : memref<80xi32, #tpu.memory_space<hbm>>) dst(%arg9 : memref<80xi32, #tpu.memory_space<vmem>>)
      tpu.yield
    }) : () -> ()
    %dma_start3A_27 = arith.constant 0 : i32
    %dma_start3A_28 = arith.constant 0 : i32
    %dma_start3A_29 = tpu.memref_slice %arg2[%dma_start3A_27, %dma_start3A_28] : memref<10000x128xf32, #tpu.memory_space<hbm>> -> memref<10000x128xf32, #tpu.memory_space<hbm>>
    tpu.enqueue_indirect_dma source(%dma_start3A_29 : memref<10000x128xf32, #tpu.memory_space<hbm>>) target(%arg17 : memref<80x128xf32, #tpu.memory_space<vmem>>) offsets(%arg9 : memref<80xi32, #tpu.memory_space<vmem>>) semaphore(%arg22 : memref<!tpu.dma_semaphore, #tpu.memory_space<semaphore_mem>>)
    %dma_start3A_30 = tpu.memref_slice %arg4[%add3A_26] : memref<320000xi32, #tpu.memory_space<hbm>> -> memref<80xi32, #tpu.memory_space<hbm>>
    %dma_start3A_31 = tpu.memref_slice %arg4[%add3A_26] : memref<320000xi32, #tpu.memory_space<hbm>> -> memref<80xi32, #tpu.memory_space<hbm>>
    tpu.enqueue_dma source(%dma_start3A_31 : memref<80xi32, #tpu.memory_space<hbm>>) target(%arg13 : memref<80xi32, #tpu.memory_space<vmem>>) target_semaphore(%arg30 : memref<!tpu.dma_semaphore, #tpu.memory_space<semaphore_mem>>)
    %lt3A = arith.constant 15 : i32
    %lt3A_32 = arith.cmpi slt, %arg1, %lt3A : i32
    %convert_element_type3A = arith.extui %lt3A_32 : i1 to i32
    %cond3A = arith.constant 0 : i32
    %cond3A_33 = arith.cmpi ne, %convert_element_type3A, %cond3A : i32
    scf.if %cond3A_33 {
      "tpu.region"() ({
        %run_scoped3A = tpu.sem_alloc : memref<!tpu.dma_semaphore, #tpu.memory_space<semaphore_mem>>
        %dma_start3A_47 = arith.constant 0 : i32
        %dma_start3A_48 = tpu.memref_slice %arg18[%mul3A_0, %dma_start3A_47] : memref<10240x128xf32, #tpu.memory_space<vmem_shared>> -> memref<640x128xf32, #tpu.memory_space<vmem_shared>>
        %dma_start3A_49 = arith.constant 0 : i32
        %dma_start3A_50 = tpu.memref_slice %arg2[%mul3A_0, %dma_start3A_49] : memref<10000x128xf32, #tpu.memory_space<hbm>> -> memref<640x128xf32, #tpu.memory_space<hbm>>
        tpu.enqueue_dma source(%dma_start3A_50 : memref<640x128xf32, #tpu.memory_space<hbm>>) target(%dma_start3A_48 : memref<640x128xf32, #tpu.memory_space<vmem_shared>>) target_semaphore(%run_scoped3A : memref<!tpu.dma_semaphore, #tpu.memory_space<semaphore_mem>>)
        %dma_wait3A_51 = arith.constant 0 : i32
        %dma_wait3A_52 = tpu.memref_slice %arg18[%mul3A_0, %dma_wait3A_51] : memref<10240x128xf32, #tpu.memory_space<vmem_shared>> -> memref<640x128xf32, #tpu.memory_space<vmem_shared>>
        %dma_wait3A_53 = arith.constant 0 : i32
        %dma_wait3A_54 = tpu.memref_slice %arg2[%mul3A_0, %dma_wait3A_53] : memref<10000x128xf32, #tpu.memory_space<hbm>> -> memref<640x128xf32, #tpu.memory_space<hbm>>
        tpu.wait_dma2 semaphore(%run_scoped3A : memref<!tpu.dma_semaphore, #tpu.memory_space<semaphore_mem>>) src(%dma_wait3A_54 : memref<640x128xf32, #tpu.memory_space<hbm>>) dst(%dma_wait3A_52 : memref<640x128xf32, #tpu.memory_space<vmem_shared>>)
        tpu.yield
      }) : () -> ()
    } else {
    }
    %eq3A = arith.constant 15 : i32
    %eq3A_34 = arith.cmpi eq, %arg1, %eq3A : i32
    %convert_element_type3A_35 = arith.extui %eq3A_34 : i1 to i32
    %cond3A_36 = arith.constant 0 : i32
    %cond3A_37 = arith.cmpi ne, %convert_element_type3A_35, %cond3A_36 : i32
    scf.if %cond3A_37 {
      "tpu.region"() ({
        %run_scoped3A = tpu.sem_alloc : memref<!tpu.dma_semaphore, #tpu.memory_space<semaphore_mem>>
        %dma_start3A_47 = arith.constant 9600 : i32
        %dma_start3A_48 = arith.constant 0 : i32
        %dma_start3A_49 = tpu.memref_slice %arg18[%dma_start3A_47, %dma_start3A_48] : memref<10240x128xf32, #tpu.memory_space<vmem_shared>> -> memref<400x128xf32, #tpu.memory_space<vmem_shared>>
        %dma_start3A_50 = arith.constant 9600 : i32
        %dma_start3A_51 = arith.constant 0 : i32
        %dma_start3A_52 = tpu.memref_slice %arg2[%dma_start3A_50, %dma_start3A_51] : memref<10000x128xf32, #tpu.memory_space<hbm>> -> memref<400x128xf32, #tpu.memory_space<hbm>>
        tpu.enqueue_dma source(%dma_start3A_52 : memref<400x128xf32, #tpu.memory_space<hbm>>) target(%dma_start3A_49 : memref<400x128xf32, #tpu.memory_space<vmem_shared>>) target_semaphore(%run_scoped3A : memref<!tpu.dma_semaphore, #tpu.memory_space<semaphore_mem>>)
        %dma_wait3A_53 = arith.constant 9600 : i32
        %dma_wait3A_54 = arith.constant 0 : i32
        %dma_wait3A_55 = tpu.memref_slice %arg18[%dma_wait3A_53, %dma_wait3A_54] : memref<10240x128xf32, #tpu.memory_space<vmem_shared>> -> memref<400x128xf32, #tpu.memory_space<vmem_shared>>
        %dma_wait3A_56 = arith.constant 9600 : i32
        %dma_wait3A_57 = arith.constant 0 : i32
        %dma_wait3A_58 = tpu.memref_slice %arg2[%dma_wait3A_56, %dma_wait3A_57] : memref<10000x128xf32, #tpu.memory_space<hbm>> -> memref<400x128xf32, #tpu.memory_space<hbm>>
        tpu.wait_dma2 semaphore(%run_scoped3A : memref<!tpu.dma_semaphore, #tpu.memory_space<semaphore_mem>>) src(%dma_wait3A_58 : memref<400x128xf32, #tpu.memory_space<hbm>>) dst(%dma_wait3A_55 : memref<400x128xf32, #tpu.memory_space<vmem_shared>>)
        tpu.yield
      }) : () -> ()
    } else {
    }
    %barrier3A = arith.constant 0 : index
    tpu.barrier barrier_id(%barrier3A)
    %scan3A = arith.constant 0 : i32
    %scan3A_38 = arith.constant 31 : i32
    %scan3A_39 = arith.addi %scan3A, %scan3A_38 : i32
    %scan3A_40 = arith.constant 1 : i32
    scf.for %scan3A_47 = %scan3A to %scan3A_39 step %scan3A_40  : i32 {
      %mul3A_48 = arith.constant 4 : i32
      %mul3A_49 = arith.muli %mul3A_48, %scan3A_47 : i32
      %add3A_50 = arith.constant 0 : i32
      %add3A_51 = arith.addi %mul3A_49, %add3A_50 : i32
      %add3A_52 = arith.constant 4 : i32
      %add3A_53 = arith.addi %add3A_51, %add3A_52 : i32
      %mul3A_54 = arith.constant 80 : i32
      %mul3A_55 = arith.muli %add3A_53, %mul3A_54 : i32
      %add3A_56 = arith.addi %add3A, %mul3A_55 : i32
      %lt3A_57 = arith.constant 125 : i32
      %lt3A_58 = arith.cmpi slt, %add3A_53, %lt3A_57 : i32
      %dma_wait3A_59 = arith.constant 0 : i32
      %dma_wait3A_60 = arith.constant 0 : i32
      %dma_wait3A_61 = tpu.memref_slice %arg2[%dma_wait3A_59, %dma_wait3A_60] : memref<10000x128xf32, #tpu.memory_space<hbm>> -> memref<10000x128xf32, #tpu.memory_space<hbm>>
      tpu.wait_indirect_dma semaphore(%arg19 : memref<!tpu.dma_semaphore, #tpu.memory_space<semaphore_mem>>) src(%dma_wait3A_61 : memref<10000x128xf32, #tpu.memory_space<hbm>>) dst(%arg14 : memref<80x128xf32, #tpu.memory_space<vmem>>)
      %dma_wait3A_62 = tpu.memref_slice %arg4[%add3A_6] : memref<320000xi32, #tpu.memory_space<hbm>> -> memref<80xi32, #tpu.memory_space<hbm>>
      %dma_wait3A_63 = tpu.memref_slice %arg4[%add3A_6] : memref<320000xi32, #tpu.memory_space<hbm>> -> memref<80xi32, #tpu.memory_space<hbm>>
      tpu.wait_dma2 semaphore(%arg27 : memref<!tpu.dma_semaphore, #tpu.memory_space<semaphore_mem>>) src(%dma_wait3A_63 : memref<80xi32, #tpu.memory_space<hbm>>) dst(%arg10 : memref<80xi32, #tpu.memory_space<vmem>>)
      %convert_element_type3A_64 = arith.extui %lt3A_58 : i1 to i32
      %cond3A_65 = arith.constant 0 : i32
      %cond3A_66 = arith.cmpi ne, %convert_element_type3A_64, %cond3A_65 : i32
      scf.if %cond3A_66 {
        %dma_start3A_136 = tpu.memref_slice %arg3[%add3A_56] : memref<320000xi32, #tpu.memory_space<hbm>> -> memref<80xi32, #tpu.memory_space<hbm>>
        %dma_start3A_137 = tpu.memref_slice %arg3[%add3A_56] : memref<320000xi32, #tpu.memory_space<hbm>> -> memref<80xi32, #tpu.memory_space<hbm>>
        tpu.enqueue_dma source(%dma_start3A_137 : memref<80xi32, #tpu.memory_space<hbm>>) target(%arg6 : memref<80xi32, #tpu.memory_space<vmem>>) target_semaphore(%arg23 : memref<!tpu.dma_semaphore, #tpu.memory_space<semaphore_mem>>)
      } else {
      }
      "tpu.region"() ({
        %run_scoped3A = tpu.sem_alloc : memref<!tpu.dma_semaphore, #tpu.memory_space<semaphore_mem>>
        %dma_start3A_136 = arith.constant 0 : i32
        %dma_start3A_137 = arith.constant 0 : i32
        %dma_start3A_138 = tpu.memref_slice %arg18[%dma_start3A_136, %dma_start3A_137] : memref<10240x128xf32, #tpu.memory_space<vmem_shared>> -> memref<10240x128xf32, #tpu.memory_space<vmem_shared>>
        tpu.enqueue_indirect_dma source(%arg14 : memref<80x128xf32, #tpu.memory_space<vmem>>) target(%dma_start3A_138 : memref<10240x128xf32, #tpu.memory_space<vmem_shared>>) offsets(%arg10 : memref<80xi32, #tpu.memory_space<vmem>>) semaphore(%run_scoped3A : memref<!tpu.dma_semaphore, #tpu.memory_space<semaphore_mem>>) {add = true}
        %dma_wait3A_139 = arith.constant 0 : i32
        %dma_wait3A_140 = arith.constant 0 : i32
        %dma_wait3A_141 = tpu.memref_slice %arg18[%dma_wait3A_139, %dma_wait3A_140] : memref<10240x128xf32, #tpu.memory_space<vmem_shared>> -> memref<10240x128xf32, #tpu.memory_space<vmem_shared>>
        tpu.wait_indirect_dma semaphore(%run_scoped3A : memref<!tpu.dma_semaphore, #tpu.memory_space<semaphore_mem>>) src(%arg14 : memref<80x128xf32, #tpu.memory_space<vmem>>) dst(%dma_wait3A_141 : memref<10240x128xf32, #tpu.memory_space<vmem_shared>>)
        tpu.yield
      }) : () -> ()
      %convert_element_type3A_67 = arith.extui %lt3A_58 : i1 to i32
      %cond3A_68 = arith.constant 0 : i32
      %cond3A_69 = arith.cmpi ne, %convert_element_type3A_67, %cond3A_68 : i32
      scf.if %cond3A_69 {
        %dma_wait3A_136 = tpu.memref_slice %arg3[%add3A_56] : memref<320000xi32, #tpu.memory_space<hbm>> -> memref<80xi32, #tpu.memory_space<hbm>>
        %dma_wait3A_137 = tpu.memref_slice %arg3[%add3A_56] : memref<320000xi32, #tpu.memory_space<hbm>> -> memref<80xi32, #tpu.memory_space<hbm>>
        tpu.wait_dma2 semaphore(%arg23 : memref<!tpu.dma_semaphore, #tpu.memory_space<semaphore_mem>>) src(%dma_wait3A_137 : memref<80xi32, #tpu.memory_space<hbm>>) dst(%arg6 : memref<80xi32, #tpu.memory_space<vmem>>)
        %dma_start3A_138 = arith.constant 0 : i32
        %dma_start3A_139 = arith.constant 0 : i32
        %dma_start3A_140 = tpu.memref_slice %arg2[%dma_start3A_138, %dma_start3A_139] : memref<10000x128xf32, #tpu.memory_space<hbm>> -> memref<10000x128xf32, #tpu.memory_space<hbm>>
        tpu.enqueue_indirect_dma source(%dma_start3A_140 : memref<10000x128xf32, #tpu.memory_space<hbm>>) target(%arg14 : memref<80x128xf32, #tpu.memory_space<vmem>>) offsets(%arg6 : memref<80xi32, #tpu.memory_space<vmem>>) semaphore(%arg19 : memref<!tpu.dma_semaphore, #tpu.memory_space<semaphore_mem>>)
        %dma_start3A_141 = tpu.memref_slice %arg4[%add3A_56] : memref<320000xi32, #tpu.memory_space<hbm>> -> memref<80xi32, #tpu.memory_space<hbm>>
        %dma_start3A_142 = tpu.memref_slice %arg4[%add3A_56] : memref<320000xi32, #tpu.memory_space<hbm>> -> memref<80xi32, #tpu.memory_space<hbm>>
        tpu.enqueue_dma source(%dma_start3A_142 : memref<80xi32, #tpu.memory_space<hbm>>) target(%arg10 : memref<80xi32, #tpu.memory_space<vmem>>) target_semaphore(%arg27 : memref<!tpu.dma_semaphore, #tpu.memory_space<semaphore_mem>>)
      } else {
      }
      %mul3A_70 = arith.constant 4 : i32
      %mul3A_71 = arith.muli %mul3A_70, %scan3A_47 : i32
      %add3A_72 = arith.constant 1 : i32
      %add3A_73 = arith.addi %mul3A_71, %add3A_72 : i32
      %add3A_74 = arith.constant 4 : i32
      %add3A_75 = arith.addi %add3A_73, %add3A_74 : i32
      %mul3A_76 = arith.constant 80 : i32
      %mul3A_77 = arith.muli %add3A_75, %mul3A_76 : i32
      %add3A_78 = arith.addi %add3A, %mul3A_77 : i32
      %lt3A_79 = arith.constant 125 : i32
      %lt3A_80 = arith.cmpi slt, %add3A_75, %lt3A_79 : i32
      %dma_wait3A_81 = arith.constant 0 : i32
      %dma_wait3A_82 = arith.constant 0 : i32
      %dma_wait3A_83 = tpu.memref_slice %arg2[%dma_wait3A_81, %dma_wait3A_82] : memref<10000x128xf32, #tpu.memory_space<hbm>> -> memref<10000x128xf32, #tpu.memory_space<hbm>>
      tpu.wait_indirect_dma semaphore(%arg20 : memref<!tpu.dma_semaphore, #tpu.memory_space<semaphore_mem>>) src(%dma_wait3A_83 : memref<10000x128xf32, #tpu.memory_space<hbm>>) dst(%arg15 : memref<80x128xf32, #tpu.memory_space<vmem>>)
      %dma_wait3A_84 = tpu.memref_slice %arg4[%add3A_12] : memref<320000xi32, #tpu.memory_space<hbm>> -> memref<80xi32, #tpu.memory_space<hbm>>
      %dma_wait3A_85 = tpu.memref_slice %arg4[%add3A_12] : memref<320000xi32, #tpu.memory_space<hbm>> -> memref<80xi32, #tpu.memory_space<hbm>>
      tpu.wait_dma2 semaphore(%arg28 : memref<!tpu.dma_semaphore, #tpu.memory_space<semaphore_mem>>) src(%dma_wait3A_85 : memref<80xi32, #tpu.memory_space<hbm>>) dst(%arg11 : memref<80xi32, #tpu.memory_space<vmem>>)
      %convert_element_type3A_86 = arith.extui %lt3A_80 : i1 to i32
      %cond3A_87 = arith.constant 0 : i32
      %cond3A_88 = arith.cmpi ne, %convert_element_type3A_86, %cond3A_87 : i32
      scf.if %cond3A_88 {
        %dma_start3A_136 = tpu.memref_slice %arg3[%add3A_78] : memref<320000xi32, #tpu.memory_space<hbm>> -> memref<80xi32, #tpu.memory_space<hbm>>
        %dma_start3A_137 = tpu.memref_slice %arg3[%add3A_78] : memref<320000xi32, #tpu.memory_space<hbm>> -> memref<80xi32, #tpu.memory_space<hbm>>
        tpu.enqueue_dma source(%dma_start3A_137 : memref<80xi32, #tpu.memory_space<hbm>>) target(%arg7 : memref<80xi32, #tpu.memory_space<vmem>>) target_semaphore(%arg24 : memref<!tpu.dma_semaphore, #tpu.memory_space<semaphore_mem>>)
      } else {
      }
      "tpu.region"() ({
        %run_scoped3A = tpu.sem_alloc : memref<!tpu.dma_semaphore, #tpu.memory_space<semaphore_mem>>
        %dma_start3A_136 = arith.constant 0 : i32
        %dma_start3A_137 = arith.constant 0 : i32
        %dma_start3A_138 = tpu.memref_slice %arg18[%dma_start3A_136, %dma_start3A_137] : memref<10240x128xf32, #tpu.memory_space<vmem_shared>> -> memref<10240x128xf32, #tpu.memory_space<vmem_shared>>
        tpu.enqueue_indirect_dma source(%arg15 : memref<80x128xf32, #tpu.memory_space<vmem>>) target(%dma_start3A_138 : memref<10240x128xf32, #tpu.memory_space<vmem_shared>>) offsets(%arg11 : memref<80xi32, #tpu.memory_space<vmem>>) semaphore(%run_scoped3A : memref<!tpu.dma_semaphore, #tpu.memory_space<semaphore_mem>>) {add = true}
        %dma_wait3A_139 = arith.constant 0 : i32
        %dma_wait3A_140 = arith.constant 0 : i32
        %dma_wait3A_141 = tpu.memref_slice %arg18[%dma_wait3A_139, %dma_wait3A_140] : memref<10240x128xf32, #tpu.memory_space<vmem_shared>> -> memref<10240x128xf32, #tpu.memory_space<vmem_shared>>
        tpu.wait_indirect_dma semaphore(%run_scoped3A : memref<!tpu.dma_semaphore, #tpu.memory_space<semaphore_mem>>) src(%arg15 : memref<80x128xf32, #tpu.memory_space<vmem>>) dst(%dma_wait3A_141 : memref<10240x128xf32, #tpu.memory_space<vmem_shared>>)
        tpu.yield
      }) : () -> ()
      %convert_element_type3A_89 = arith.extui %lt3A_80 : i1 to i32
      %cond3A_90 = arith.constant 0 : i32
      %cond3A_91 = arith.cmpi ne, %convert_element_type3A_89, %cond3A_90 : i32
      scf.if %cond3A_91 {
        %dma_wait3A_136 = tpu.memref_slice %arg3[%add3A_78] : memref<320000xi32, #tpu.memory_space<hbm>> -> memref<80xi32, #tpu.memory_space<hbm>>
        %dma_wait3A_137 = tpu.memref_slice %arg3[%add3A_78] : memref<320000xi32, #tpu.memory_space<hbm>> -> memref<80xi32, #tpu.memory_space<hbm>>
        tpu.wait_dma2 semaphore(%arg24 : memref<!tpu.dma_semaphore, #tpu.memory_space<semaphore_mem>>) src(%dma_wait3A_137 : memref<80xi32, #tpu.memory_space<hbm>>) dst(%arg7 : memref<80xi32, #tpu.memory_space<vmem>>)
        %dma_start3A_138 = arith.constant 0 : i32
        %dma_start3A_139 = arith.constant 0 : i32
        %dma_start3A_140 = tpu.memref_slice %arg2[%dma_start3A_138, %dma_start3A_139] : memref<10000x128xf32, #tpu.memory_space<hbm>> -> memref<10000x128xf32, #tpu.memory_space<hbm>>
        tpu.enqueue_indirect_dma source(%dma_start3A_140 : memref<10000x128xf32, #tpu.memory_space<hbm>>) target(%arg15 : memref<80x128xf32, #tpu.memory_space<vmem>>) offsets(%arg7 : memref<80xi32, #tpu.memory_space<vmem>>) semaphore(%arg20 : memref<!tpu.dma_semaphore, #tpu.memory_space<semaphore_mem>>)
        %dma_start3A_141 = tpu.memref_slice %arg4[%add3A_78] : memref<320000xi32, #tpu.memory_space<hbm>> -> memref<80xi32, #tpu.memory_space<hbm>>
        %dma_start3A_142 = tpu.memref_slice %arg4[%add3A_78] : memref<320000xi32, #tpu.memory_space<hbm>> -> memref<80xi32, #tpu.memory_space<hbm>>
        tpu.enqueue_dma source(%dma_start3A_142 : memref<80xi32, #tpu.memory_space<hbm>>) target(%arg11 : memref<80xi32, #tpu.memory_space<vmem>>) target_semaphore(%arg28 : memref<!tpu.dma_semaphore, #tpu.memory_space<semaphore_mem>>)
      } else {
      }
      %mul3A_92 = arith.constant 4 : i32
      %mul3A_93 = arith.muli %mul3A_92, %scan3A_47 : i32
      %add3A_94 = arith.constant 2 : i32
      %add3A_95 = arith.addi %mul3A_93, %add3A_94 : i32
      %add3A_96 = arith.constant 4 : i32
      %add3A_97 = arith.addi %add3A_95, %add3A_96 : i32
      %mul3A_98 = arith.constant 80 : i32
      %mul3A_99 = arith.muli %add3A_97, %mul3A_98 : i32
      %add3A_100 = arith.addi %add3A, %mul3A_99 : i32
      %lt3A_101 = arith.constant 125 : i32
      %lt3A_102 = arith.cmpi slt, %add3A_97, %lt3A_101 : i32
      %dma_wait3A_103 = arith.constant 0 : i32
      %dma_wait3A_104 = arith.constant 0 : i32
      %dma_wait3A_105 = tpu.memref_slice %arg2[%dma_wait3A_103, %dma_wait3A_104] : memref<10000x128xf32, #tpu.memory_space<hbm>> -> memref<10000x128xf32, #tpu.memory_space<hbm>>
      tpu.wait_indirect_dma semaphore(%arg21 : memref<!tpu.dma_semaphore, #tpu.memory_space<semaphore_mem>>) src(%dma_wait3A_105 : memref<10000x128xf32, #tpu.memory_space<hbm>>) dst(%arg16 : memref<80x128xf32, #tpu.memory_space<vmem>>)
      %dma_wait3A_106 = tpu.memref_slice %arg4[%add3A_19] : memref<320000xi32, #tpu.memory_space<hbm>> -> memref<80xi32, #tpu.memory_space<hbm>>
      %dma_wait3A_107 = tpu.memref_slice %arg4[%add3A_19] : memref<320000xi32, #tpu.memory_space<hbm>> -> memref<80xi32, #tpu.memory_space<hbm>>
      tpu.wait_dma2 semaphore(%arg29 : memref<!tpu.dma_semaphore, #tpu.memory_space<semaphore_mem>>) src(%dma_wait3A_107 : memref<80xi32, #tpu.memory_space<hbm>>) dst(%arg12 : memref<80xi32, #tpu.memory_space<vmem>>)
      %convert_element_type3A_108 = arith.extui %lt3A_102 : i1 to i32
      %cond3A_109 = arith.constant 0 : i32
      %cond3A_110 = arith.cmpi ne, %convert_element_type3A_108, %cond3A_109 : i32
      scf.if %cond3A_110 {
        %dma_start3A_136 = tpu.memref_slice %arg3[%add3A_100] : memref<320000xi32, #tpu.memory_space<hbm>> -> memref<80xi32, #tpu.memory_space<hbm>>
        %dma_start3A_137 = tpu.memref_slice %arg3[%add3A_100] : memref<320000xi32, #tpu.memory_space<hbm>> -> memref<80xi32, #tpu.memory_space<hbm>>
        tpu.enqueue_dma source(%dma_start3A_137 : memref<80xi32, #tpu.memory_space<hbm>>) target(%arg8 : memref<80xi32, #tpu.memory_space<vmem>>) target_semaphore(%arg25 : memref<!tpu.dma_semaphore, #tpu.memory_space<semaphore_mem>>)
      } else {
      }
      "tpu.region"() ({
        %run_scoped3A = tpu.sem_alloc : memref<!tpu.dma_semaphore, #tpu.memory_space<semaphore_mem>>
        %dma_start3A_136 = arith.constant 0 : i32
        %dma_start3A_137 = arith.constant 0 : i32
        %dma_start3A_138 = tpu.memref_slice %arg18[%dma_start3A_136, %dma_start3A_137] : memref<10240x128xf32, #tpu.memory_space<vmem_shared>> -> memref<10240x128xf32, #tpu.memory_space<vmem_shared>>
        tpu.enqueue_indirect_dma source(%arg16 : memref<80x128xf32, #tpu.memory_space<vmem>>) target(%dma_start3A_138 : memref<10240x128xf32, #tpu.memory_space<vmem_shared>>) offsets(%arg12 : memref<80xi32, #tpu.memory_space<vmem>>) semaphore(%run_scoped3A : memref<!tpu.dma_semaphore, #tpu.memory_space<semaphore_mem>>) {add = true}
        %dma_wait3A_139 = arith.constant 0 : i32
        %dma_wait3A_140 = arith.constant 0 : i32
        %dma_wait3A_141 = tpu.memref_slice %arg18[%dma_wait3A_139, %dma_wait3A_140] : memref<10240x128xf32, #tpu.memory_space<vmem_shared>> -> memref<10240x128xf32, #tpu.memory_space<vmem_shared>>
        tpu.wait_indirect_dma semaphore(%run_scoped3A : memref<!tpu.dma_semaphore, #tpu.memory_space<semaphore_mem>>) src(%arg16 : memref<80x128xf32, #tpu.memory_space<vmem>>) dst(%dma_wait3A_141 : memref<10240x128xf32, #tpu.memory_space<vmem_shared>>)
        tpu.yield
      }) : () -> ()
      %convert_element_type3A_111 = arith.extui %lt3A_102 : i1 to i32
      %cond3A_112 = arith.constant 0 : i32
      %cond3A_113 = arith.cmpi ne, %convert_element_type3A_111, %cond3A_112 : i32
      scf.if %cond3A_113 {
        %dma_wait3A_136 = tpu.memref_slice %arg3[%add3A_100] : memref<320000xi32, #tpu.memory_space<hbm>> -> memref<80xi32, #tpu.memory_space<hbm>>
        %dma_wait3A_137 = tpu.memref_slice %arg3[%add3A_100] : memref<320000xi32, #tpu.memory_space<hbm>> -> memref<80xi32, #tpu.memory_space<hbm>>
        tpu.wait_dma2 semaphore(%arg25 : memref<!tpu.dma_semaphore, #tpu.memory_space<semaphore_mem>>) src(%dma_wait3A_137 : memref<80xi32, #tpu.memory_space<hbm>>) dst(%arg8 : memref<80xi32, #tpu.memory_space<vmem>>)
        %dma_start3A_138 = arith.constant 0 : i32
        %dma_start3A_139 = arith.constant 0 : i32
        %dma_start3A_140 = tpu.memref_slice %arg2[%dma_start3A_138, %dma_start3A_139] : memref<10000x128xf32, #tpu.memory_space<hbm>> -> memref<10000x128xf32, #tpu.memory_space<hbm>>
        tpu.enqueue_indirect_dma source(%dma_start3A_140 : memref<10000x128xf32, #tpu.memory_space<hbm>>) target(%arg16 : memref<80x128xf32, #tpu.memory_space<vmem>>) offsets(%arg8 : memref<80xi32, #tpu.memory_space<vmem>>) semaphore(%arg21 : memref<!tpu.dma_semaphore, #tpu.memory_space<semaphore_mem>>)
        %dma_start3A_141 = tpu.memref_slice %arg4[%add3A_100] : memref<320000xi32, #tpu.memory_space<hbm>> -> memref<80xi32, #tpu.memory_space<hbm>>
        %dma_start3A_142 = tpu.memref_slice %arg4[%add3A_100] : memref<320000xi32, #tpu.memory_space<hbm>> -> memref<80xi32, #tpu.memory_space<hbm>>
        tpu.enqueue_dma source(%dma_start3A_142 : memref<80xi32, #tpu.memory_space<hbm>>) target(%arg12 : memref<80xi32, #tpu.memory_space<vmem>>) target_semaphore(%arg29 : memref<!tpu.dma_semaphore, #tpu.memory_space<semaphore_mem>>)
      } else {
      }
      %mul3A_114 = arith.constant 4 : i32
      %mul3A_115 = arith.muli %mul3A_114, %scan3A_47 : i32
      %add3A_116 = arith.constant 3 : i32
      %add3A_117 = arith.addi %mul3A_115, %add3A_116 : i32
      %add3A_118 = arith.constant 4 : i32
      %add3A_119 = arith.addi %add3A_117, %add3A_118 : i32
      %mul3A_120 = arith.constant 80 : i32
      %mul3A_121 = arith.muli %add3A_119, %mul3A_120 : i32
      %add3A_122 = arith.addi %add3A, %mul3A_121 : i32
      %lt3A_123 = arith.constant 125 : i32
      %lt3A_124 = arith.cmpi slt, %add3A_119, %lt3A_123 : i32
      %dma_wait3A_125 = arith.constant 0 : i32
      %dma_wait3A_126 = arith.constant 0 : i32
      %dma_wait3A_127 = tpu.memref_slice %arg2[%dma_wait3A_125, %dma_wait3A_126] : memref<10000x128xf32, #tpu.memory_space<hbm>> -> memref<10000x128xf32, #tpu.memory_space<hbm>>
      tpu.wait_indirect_dma semaphore(%arg22 : memref<!tpu.dma_semaphore, #tpu.memory_space<semaphore_mem>>) src(%dma_wait3A_127 : memref<10000x128xf32, #tpu.memory_space<hbm>>) dst(%arg17 : memref<80x128xf32, #tpu.memory_space<vmem>>)
      %dma_wait3A_128 = tpu.memref_slice %arg4[%add3A_26] : memref<320000xi32, #tpu.memory_space<hbm>> -> memref<80xi32, #tpu.memory_space<hbm>>
      %dma_wait3A_129 = tpu.memref_slice %arg4[%add3A_26] : memref<320000xi32, #tpu.memory_space<hbm>> -> memref<80xi32, #tpu.memory_space<hbm>>
      tpu.wait_dma2 semaphore(%arg30 : memref<!tpu.dma_semaphore, #tpu.memory_space<semaphore_mem>>) src(%dma_wait3A_129 : memref<80xi32, #tpu.memory_space<hbm>>) dst(%arg13 : memref<80xi32, #tpu.memory_space<vmem>>)
      %convert_element_type3A_130 = arith.extui %lt3A_124 : i1 to i32
      %cond3A_131 = arith.constant 0 : i32
      %cond3A_132 = arith.cmpi ne, %convert_element_type3A_130, %cond3A_131 : i32
      scf.if %cond3A_132 {
        %dma_start3A_136 = tpu.memref_slice %arg3[%add3A_122] : memref<320000xi32, #tpu.memory_space<hbm>> -> memref<80xi32, #tpu.memory_space<hbm>>
        %dma_start3A_137 = tpu.memref_slice %arg3[%add3A_122] : memref<320000xi32, #tpu.memory_space<hbm>> -> memref<80xi32, #tpu.memory_space<hbm>>
        tpu.enqueue_dma source(%dma_start3A_137 : memref<80xi32, #tpu.memory_space<hbm>>) target(%arg9 : memref<80xi32, #tpu.memory_space<vmem>>) target_semaphore(%arg26 : memref<!tpu.dma_semaphore, #tpu.memory_space<semaphore_mem>>)
      } else {
      }
      "tpu.region"() ({
        %run_scoped3A = tpu.sem_alloc : memref<!tpu.dma_semaphore, #tpu.memory_space<semaphore_mem>>
        %dma_start3A_136 = arith.constant 0 : i32
        %dma_start3A_137 = arith.constant 0 : i32
        %dma_start3A_138 = tpu.memref_slice %arg18[%dma_start3A_136, %dma_start3A_137] : memref<10240x128xf32, #tpu.memory_space<vmem_shared>> -> memref<10240x128xf32, #tpu.memory_space<vmem_shared>>
        tpu.enqueue_indirect_dma source(%arg17 : memref<80x128xf32, #tpu.memory_space<vmem>>) target(%dma_start3A_138 : memref<10240x128xf32, #tpu.memory_space<vmem_shared>>) offsets(%arg13 : memref<80xi32, #tpu.memory_space<vmem>>) semaphore(%run_scoped3A : memref<!tpu.dma_semaphore, #tpu.memory_space<semaphore_mem>>) {add = true}
        %dma_wait3A_139 = arith.constant 0 : i32
        %dma_wait3A_140 = arith.constant 0 : i32
        %dma_wait3A_141 = tpu.memref_slice %arg18[%dma_wait3A_139, %dma_wait3A_140] : memref<10240x128xf32, #tpu.memory_space<vmem_shared>> -> memref<10240x128xf32, #tpu.memory_space<vmem_shared>>
        tpu.wait_indirect_dma semaphore(%run_scoped3A : memref<!tpu.dma_semaphore, #tpu.memory_space<semaphore_mem>>) src(%arg17 : memref<80x128xf32, #tpu.memory_space<vmem>>) dst(%dma_wait3A_141 : memref<10240x128xf32, #tpu.memory_space<vmem_shared>>)
        tpu.yield
      }) : () -> ()
      %convert_element_type3A_133 = arith.extui %lt3A_124 : i1 to i32
      %cond3A_134 = arith.constant 0 : i32
      %cond3A_135 = arith.cmpi ne, %convert_element_type3A_133, %cond3A_134 : i32
      scf.if %cond3A_135 {
        %dma_wait3A_136 = tpu.memref_slice %arg3[%add3A_122] : memref<320000xi32, #tpu.memory_space<hbm>> -> memref<80xi32, #tpu.memory_space<hbm>>
        %dma_wait3A_137 = tpu.memref_slice %arg3[%add3A_122] : memref<320000xi32, #tpu.memory_space<hbm>> -> memref<80xi32, #tpu.memory_space<hbm>>
        tpu.wait_dma2 semaphore(%arg26 : memref<!tpu.dma_semaphore, #tpu.memory_space<semaphore_mem>>) src(%dma_wait3A_137 : memref<80xi32, #tpu.memory_space<hbm>>) dst(%arg9 : memref<80xi32, #tpu.memory_space<vmem>>)
        %dma_start3A_138 = arith.constant 0 : i32
        %dma_start3A_139 = arith.constant 0 : i32
        %dma_start3A_140 = tpu.memref_slice %arg2[%dma_start3A_138, %dma_start3A_139] : memref<10000x128xf32, #tpu.memory_space<hbm>> -> memref<10000x128xf32, #tpu.memory_space<hbm>>
        tpu.enqueue_indirect_dma source(%dma_start3A_140 : memref<10000x128xf32, #tpu.memory_space<hbm>>) target(%arg17 : memref<80x128xf32, #tpu.memory_space<vmem>>) offsets(%arg9 : memref<80xi32, #tpu.memory_space<vmem>>) semaphore(%arg22 : memref<!tpu.dma_semaphore, #tpu.memory_space<semaphore_mem>>)
        %dma_start3A_141 = tpu.memref_slice %arg4[%add3A_122] : memref<320000xi32, #tpu.memory_space<hbm>> -> memref<80xi32, #tpu.memory_space<hbm>>
        %dma_start3A_142 = tpu.memref_slice %arg4[%add3A_122] : memref<320000xi32, #tpu.memory_space<hbm>> -> memref<80xi32, #tpu.memory_space<hbm>>
        tpu.enqueue_dma source(%dma_start3A_142 : memref<80xi32, #tpu.memory_space<hbm>>) target(%arg13 : memref<80xi32, #tpu.memory_space<vmem>>) target_semaphore(%arg30 : memref<!tpu.dma_semaphore, #tpu.memory_space<semaphore_mem>>)
      } else {
      }
    }
    %scan3A_41 = arith.constant 31 : i32
    %dma_wait3A = arith.constant 0 : i32
    %dma_wait3A_42 = arith.constant 0 : i32
    %dma_wait3A_43 = tpu.memref_slice %arg2[%dma_wait3A, %dma_wait3A_42] : memref<10000x128xf32, #tpu.memory_space<hbm>> -> memref<10000x128xf32, #tpu.memory_space<hbm>>
    tpu.wait_indirect_dma semaphore(%arg19 : memref<!tpu.dma_semaphore, #tpu.memory_space<semaphore_mem>>) src(%dma_wait3A_43 : memref<10000x128xf32, #tpu.memory_space<hbm>>) dst(%arg14 : memref<80x128xf32, #tpu.memory_space<vmem>>)
    %dma_wait3A_44 = tpu.memref_slice %arg4[%add3A_6] : memref<320000xi32, #tpu.memory_space<hbm>> -> memref<80xi32, #tpu.memory_space<hbm>>
    %dma_wait3A_45 = tpu.memref_slice %arg4[%add3A_6] : memref<320000xi32, #tpu.memory_space<hbm>> -> memref<80xi32, #tpu.memory_space<hbm>>
    tpu.wait_dma2 semaphore(%arg27 : memref<!tpu.dma_semaphore, #tpu.memory_space<semaphore_mem>>) src(%dma_wait3A_45 : memref<80xi32, #tpu.memory_space<hbm>>) dst(%arg10 : memref<80xi32, #tpu.memory_space<vmem>>)
    "tpu.region"() ({
      %run_scoped3A = tpu.sem_alloc : memref<!tpu.dma_semaphore, #tpu.memory_space<semaphore_mem>>
      %dma_start3A_47 = arith.constant 0 : i32
      %dma_start3A_48 = arith.constant 0 : i32
      %dma_start3A_49 = tpu.memref_slice %arg18[%dma_start3A_47, %dma_start3A_48] : memref<10240x128xf32, #tpu.memory_space<vmem_shared>> -> memref<10240x128xf32, #tpu.memory_space<vmem_shared>>
      tpu.enqueue_indirect_dma source(%arg14 : memref<80x128xf32, #tpu.memory_space<vmem>>) target(%dma_start3A_49 : memref<10240x128xf32, #tpu.memory_space<vmem_shared>>) offsets(%arg10 : memref<80xi32, #tpu.memory_space<vmem>>) semaphore(%run_scoped3A : memref<!tpu.dma_semaphore, #tpu.memory_space<semaphore_mem>>) {add = true}
      %dma_wait3A_50 = arith.constant 0 : i32
      %dma_wait3A_51 = arith.constant 0 : i32
      %dma_wait3A_52 = tpu.memref_slice %arg18[%dma_wait3A_50, %dma_wait3A_51] : memref<10240x128xf32, #tpu.memory_space<vmem_shared>> -> memref<10240x128xf32, #tpu.memory_space<vmem_shared>>
      tpu.wait_indirect_dma semaphore(%run_scoped3A : memref<!tpu.dma_semaphore, #tpu.memory_space<semaphore_mem>>) src(%arg14 : memref<80x128xf32, #tpu.memory_space<vmem>>) dst(%dma_wait3A_52 : memref<10240x128xf32, #tpu.memory_space<vmem_shared>>)
      tpu.yield
    }) : () -> ()
    %barrier3A_46 = arith.constant 0 : index
    tpu.barrier barrier_id(%barrier3A_46)
    "tpu.region"() ({
      %run_scoped3A = tpu.sem_alloc : memref<!tpu.dma_semaphore, #tpu.memory_space<semaphore_mem>>
      %dma_start3A_47 = arith.constant 0 : i32
      %dma_start3A_48 = tpu.memref_slice %arg5[%arg0, %mul3A_0, %dma_start3A_47] : memref<2x10240x128xf32, #tpu.memory_space<hbm>> -> memref<1x640x128xf32, #tpu.memory_space<hbm>>
      %dma_start3A_49 = tpu.memref_squeeze %dma_start3A_48 : memref<1x640x128xf32, #tpu.memory_space<hbm>> -> memref<640x128xf32, #tpu.memory_space<hbm>>
      %dma_start3A_50 = arith.constant 0 : i32
      %dma_start3A_51 = tpu.memref_slice %arg18[%mul3A_0, %dma_start3A_50] : memref<10240x128xf32, #tpu.memory_space<vmem_shared>> -> memref<640x128xf32, #tpu.memory_space<vmem_shared>>
      tpu.enqueue_dma source(%dma_start3A_51 : memref<640x128xf32, #tpu.memory_space<vmem_shared>>) target(%dma_start3A_49 : memref<640x128xf32, #tpu.memory_space<hbm>>) target_semaphore(%run_scoped3A : memref<!tpu.dma_semaphore, #tpu.memory_space<semaphore_mem>>)
      %dma_wait3A_52 = arith.constant 0 : i32
      %dma_wait3A_53 = tpu.memref_slice %arg5[%arg0, %mul3A_0, %dma_wait3A_52] : memref<2x10240x128xf32, #tpu.memory_space<hbm>> -> memref<1x640x128xf32, #tpu.memory_space<hbm>>
      %dma_wait3A_54 = tpu.memref_squeeze %dma_wait3A_53 : memref<1x640x128xf32, #tpu.memory_space<hbm>> -> memref<640x128xf32, #tpu.memory_space<hbm>>
      %dma_wait3A_55 = arith.constant 0 : i32
      %dma_wait3A_56 = tpu.memref_slice %arg18[%mul3A_0, %dma_wait3A_55] : memref<10240x128xf32, #tpu.memory_space<vmem_shared>> -> memref<640x128xf32, #tpu.memory_space<vmem_shared>>
      tpu.wait_dma2 semaphore(%run_scoped3A : memref<!tpu.dma_semaphore, #tpu.memory_space<semaphore_mem>>) src(%dma_wait3A_56 : memref<640x128xf32, #tpu.memory_space<vmem_shared>>) dst(%dma_wait3A_54 : memref<640x128xf32, #tpu.memory_space<hbm>>)
      tpu.yield
    }) : () -> ()
    return
  }
}

module attributes {stable_mosaic.version = 14 : i64} {
  func.func @_fin_body(%arg0: i32, %arg1: memref<2x1000x128xf32, #tpu.memory_space<vmem>>, %arg2: memref<1000x128xf32, #tpu.memory_space<vmem>>, %arg3: memref<128x128xf32, #tpu.memory_space<vmem>>, %arg4: memref<1x128xf32, #tpu.memory_space<vmem>>, %arg5: memref<1000x128xf32, #tpu.memory_space<vmem>>) attributes {dimension_semantics = [#tpu.dimension_semantics<arbitrary>], iteration_bounds = array<i64: 10>, scalar_prefetch = 0 : i64, scratch_operands = 0 : i64, tpu.core_type = #tpu.core_type<tc>, window_params = [{transform_indices = @transform_0, window_bounds = array<i64: 2, 1000, 128>}, {transform_indices = @transform_1, window_bounds = array<i64: 1000, 128>}, {pipeline_mode = #tpu.pipeline_mode<synchronous>, transform_indices = @transform_2, window_bounds = array<i64: 128, 128>}, {pipeline_mode = #tpu.pipeline_mode<synchronous>, transform_indices = @transform_3, window_bounds = array<i64: 1, 128>}, {transform_indices = @transform_4, window_bounds = array<i64: 1000, 128>}]} {
    %get3A = arith.constant 0 : index
    %get3A_0 = arith.constant 0 : index
    %get3A_1 = arith.constant 0 : index
    %get3A_2 = vector.load %arg1[%get3A, %get3A_0, %get3A_1] : memref<2x1000x128xf32, #tpu.memory_space<vmem>>, vector<1x1000x128xf32>
    %get3A_3 = vector.shape_cast %get3A_2 : vector<1x1000x128xf32> to vector<1000x128xf32>
    %get3A_4 = arith.constant 1 : index
    %get3A_5 = arith.constant 0 : index
    %get3A_6 = arith.constant 0 : index
    %get3A_7 = vector.load %arg1[%get3A_4, %get3A_5, %get3A_6] : memref<2x1000x128xf32, #tpu.memory_space<vmem>>, vector<1x1000x128xf32>
    %get3A_8 = vector.shape_cast %get3A_7 : vector<1x1000x128xf32> to vector<1000x128xf32>
    %add3A = arith.addf %get3A_3, %get3A_8 : vector<1000x128xf32>
    %get3A_9 = arith.constant 0 : index
    %get3A_10 = arith.constant 0 : index
    %get3A_11 = vector.load %arg2[%get3A_9, %get3A_10] : memref<1000x128xf32, #tpu.memory_space<vmem>>, vector<1000x128xf32>
    %sub3A = arith.subf %add3A, %get3A_11 : vector<1000x128xf32>
    %get3A_12 = arith.constant 0 : index
    %get3A_13 = arith.constant 0 : index
    %get3A_14 = vector.load %arg3[%get3A_12, %get3A_13] : memref<128x128xf32, #tpu.memory_space<vmem>>, vector<128x128xf32>
    %dot_general3A = arith.constant dense<0.000000e+00> : vector<1000x128xf32>
    %dot_general3A_15 = tpu.matmul %sub3A, %get3A_14, %dot_general3A {dimension_numbers = #tpu.dot_dimension_numbers<[1], [0], [0], [1], [0, 0, 1, 1], [], []>, transpose_lhs_hint = false} : vector<1000x128xf32>, vector<128x128xf32>, vector<1000x128xf32> -> vector<1000x128xf32>
    %get3A_16 = arith.constant 0 : index
    %get3A_17 = arith.constant 0 : index
    %get3A_18 = vector.load %arg4[%get3A_16, %get3A_17] : memref<1x128xf32, #tpu.memory_space<vmem>>, vector<1x128xf32>
    %add3A_19 = vector.broadcast %get3A_18 : vector<1x128xf32> to vector<1000x128xf32>
    %add3A_20 = arith.addf %dot_general3A_15, %add3A_19 : vector<1000x128xf32>
    %swap3A = arith.constant 0 : index
    %swap3A_21 = arith.constant 0 : index
    %swap3A_22 = vector.load %arg5[%swap3A, %swap3A_21] : memref<1000x128xf32, #tpu.memory_space<vmem>>, vector<1000x128xf32>
    tpu.vector_store %arg5[%swap3A, %swap3A_21], %add3A_20 {strides = array<i32>} : memref<1000x128xf32, #tpu.memory_space<vmem>>, vector<1000x128xf32>,
    return
  }
  func.func @transform_0(%arg0: i32) -> (i32, i32, i32) {
    %c0_i32 = arith.constant 0 : i32
    %c0_i32_0 = arith.constant 0 : i32
    %c0_i32_1 = arith.constant 0 : i32
    return %c0_i32, %arg0, %c0_i32_0 : i32, i32, i32
  }
  func.func @transform_1(%arg0: i32) -> (i32, i32) {
    %c0_i32 = arith.constant 0 : i32
    %c0_i32_0 = arith.constant 0 : i32
    return %arg0, %c0_i32 : i32, i32
  }
  func.func @transform_2(%arg0: i32) -> (i32, i32) {
    %c0_i32 = arith.constant 0 : i32
    %c0_i32_0 = arith.constant 0 : i32
    %c0_i32_1 = arith.constant 0 : i32
    return %c0_i32, %c0_i32_0 : i32, i32
  }
  func.func @transform_3(%arg0: i32) -> (i32, i32) {
    %c0_i32 = arith.constant 0 : i32
    %c0_i32_0 = arith.constant 0 : i32
    %c0_i32_1 = arith.constant 0 : i32
    return %c0_i32, %c0_i32_0 : i32, i32
  }
  func.func @transform_4(%arg0: i32) -> (i32, i32) {
    %c0_i32 = arith.constant 0 : i32
    %c0_i32_0 = arith.constant 0 : i32
    return %arg0, %c0_i32 : i32, i32
  }
}

</mosaic_0001>

<sc_bundles>
// kernel: kernel.4.cloned.1.call-start
scs
__scs_entry_jumppad:
0x0: {  	(pc) =	sbr.rel $0x88, $3  }
0x1: {  	(tag) =	ssettag $0x0;
	lr =	simm.s32 $0x1  }
0x2: {  	[smem:$0x3F9D] =	sst lr;
	_ =	strace $0xD0000000  }
0x3: {  	_ = 	snop  }
0x4: {  	_ = 	snop  }
0x5: {  	_ = 	snop  }
0x6: {  	_ = 	snop  }
0x7: {  	_ = 	snop  }
__scs_overlays_trampoline_lowered:
0x8: {  	[smem:$0x3FAC] =	sst s0  }
0x9: {  	[smem:$0x3FAD] =	sst s1  }
0xa: {  	[smem:$0x3FAE] =	sst s2  }
0xb: {  	[smem:$0x3FAF] =	sst s3  }
0xc: {  	[smem:$0x3FB0] =	sst s4  }
0xd: {  	[smem:$0x3FB1] =	sst s5  }
0xe: {  	[smem:$0x3FB2] =	sst s6  }
0xf: {  	[smem:$0x3FB3] =	sst s7  }
0x10: {  	[smem:$0x3FB4] =	sst s8  }
0x11: {  	[smem:$0x3FB5] =	sst s9;
	s0 =	simm.s32 @!p0 $0x0  }
0x12: {  	s1 =	sld [smem:$0x3F9B];
	s0 =	simm.s32 @p0 $0x1  }
0x13: {  	[smem:$0x3FB6] =	sst s0;
	s0 =	simm.s32 @!p1 $0x0  }
0x14: {  	s2 =	sld [smem:$0x3F9A];
	s0 =	simm.s32 @p1 $0x1  }
0x15: {  	[smem:$0x3FB7] =	sst s0;
	s0 =	simm.s32 @!p2 $0x0  }
0x16: {  	s3 =	sld [smem:$0x3FDB];
	s0 =	simm.s32 @p2 $0x1  }
0x17: {  	s4 =	simm.s32 $0x1BF5;
	[smem:$0x3FB9] =	sst s0  }
0x18: {  	s0 =	sld [smem:$0x3F9C];
	_ =	swait.ge [sflag:s4], $0x0  }
0x19: {  	s7 =	sld [smem:$0x3F9D]  }
0x1a: {  	s8 =	sadd.s32 $0xFFFFE003, lr  }
0x1b: {  	s9 =	sadd.s32 $0xFFFFFEF7, lr;
	s5 =	simm.s32 $0xFFFFFFFF;
	p2 =	slt.u32 s8, $0xFFFFF086  }
0x1c: {  	p1 =	slt.u32 s9, $0xF7A;
	s5 =	simm.s32 @!p2 $0x0  }
0x1d: {  	s5 =	simm.s32 @p1 $0x1;
	p0 =	seq.s32 s7, s2  }
0x1e: {  	s7 =	smul.u32 @!p0 $0xF7A, s2;
	p2 =	seq.s32 @!p0 s5, $0x0  }
0x1f: {  	s9 =	smul.u32 $0xF7A, s1;
	s8 =	simm.s32 @!p0 $0x1BF5;
	p2 =	por !p2, p0  }
0x20: {  	[sflag:s8] =	ssyncset.s32 @!p0 $0xFFFFF086;
	s6 =	sadd.s32 @!p0 s3, s7;
	s7 =	simm.s32 @!p0 $0x108  }
0x21: {  	s3 =	sadd.s32 s3, s9;
	s6 =	sadd.s32 @!p0 $0x88, s6;
	s7 =	simm.s32 @p2 $0x1082  }
0x22: {  	[simem:s7], [sflag:s8] =	dma.local @!p0 [hbm:s6], $0xF7A  }
0x23: {  	s9 =	sor.u32 $0xD0000000, s2;
	s6 =	simm.s32 $0x108;
	_ =	swait.ge @!p0 [sflag:s8], $0x0  }
0x24: {  	s3 =	sadd.s32 $0x88, s3;
	s6 =	simm.s32 @!p1 $0x1082;
	[sflag:s4] =	ssyncset.s32 $0xFFFFF086  }
0x25: {  	[simem:s6], [sflag:s4] =	dma.local [hbm:s3], $0xF7A  }
0x26: {  	[smem:$0x3F9D] =	sst s1;
	(tag) =	ssettag s2;
	_ =	strace s9  }
0x27: {  	s1 =	sld [smem:$0x3FAD]  }
0x28: {  	s2 =	sld [smem:$0x3FAE]  }
0x29: {  	s4 =	sld [smem:$0x3FB0]  }
0x2a: {  	p0 =	seq.s32 s5, $0x0;
	s5 =	sld [smem:$0x3FB1]  }
0x2b: {  	s6 =	sld [smem:$0x3FB2]  }
0x2c: {  	s7 =	sld [smem:$0x3FB3]  }
0x2d: {  	s3 =	simm.s32 $0x108;
	s8 =	sld [smem:$0x3FB4]  }
0x2e: {  	s3 =	simm.s32 @!p0 $0x1082;
	s9 =	sld [smem:$0x3FB5]  }
0x2f: {  	lr =	sadd.s32 s0, s3;
	s0 =	sld [smem:$0x3FAC]  }
0x30: {  	s3 =	sld [smem:$0x3FAF]  }
0x31: {  	[smem:$0x3FB8] =	sst s10  }
0x32: {  	s10 =	sld [smem:$0x3FB6];
	_ =	sdelay $0x3  }
0x33: {  	p0 =	seq.s32 s10, $0x1;
	s10 =	sld [smem:$0x3FB8];
	_ =	sdelay $0x3  }
0x34: {  	[smem:$0x3FB8] =	sst s10  }
0x35: {  	s10 =	sld [smem:$0x3FB7];
	_ =	sdelay $0x3  }
0x36: {  	p1 =	seq.s32 s10, $0x1;
	s10 =	sld [smem:$0x3FB8];
	_ =	sdelay $0x3  }
0x37: {  	[smem:$0x3FB8] =	sst s10  }
0x38: {  	s10 =	sld [smem:$0x3FB9]  }
0x39: {  	_ = 	snop;
	(pc) =	sbr.ind lr, $3  }
0x3a: {  	_ = 	snop  }
0x3b: {  	_ = 	snop  }
0x3c: {  	p2 =	seq.s32 s10, $0x1;
	s10 =	sld [smem:$0x3FB8]  }
0x3d: {  	_ =	shalt  }
0x3e: {  	_ =	shalt  }
0x3f: {  	_ =	shalt  }
0x40: {  	_ =	shalt  }
0x41: {  	_ =	shalt  }
0x42: {  	_ =	shalt  }
0x43: {  	_ =	shalt  }
0x44: {  	_ =	shalt  }
0x45: {  	_ =	shalt  }
0x46: {  	_ =	shalt  }
0x47: {  	_ =	shalt  }
0x48: {  	_ =	shalt  }
0x49: {  	_ =	shalt  }
0x4a: {  	_ =	shalt  }
0x4b: {  	_ =	shalt  }
0x4c: {  	_ =	shalt  }
0x4d: {  	_ =	shalt  }
0x4e: {  	_ =	shalt  }
0x4f: {  	_ =	shalt  }
0x50: {  	_ =	shalt  }
0x51: {  	_ =	shalt  }
0x52: {  	_ =	shalt  }
0x53: {  	_ =	shalt  }
0x54: {  	_ =	shalt  }
0x55: {  	_ =	shalt  }
0x56: {  	_ =	shalt  }
0x57: {  	_ =	shalt  }
0x58: {  	_ =	shalt  }
0x59: {  	_ =	shalt  }
0x5a: {  	_ =	shalt  }
0x5b: {  	_ =	shalt  }
0x5c: {  	_ =	shalt  }
0x5d: {  	_ =	shalt  }
0x5e: {  	_ =	shalt  }
0x5f: {  	_ =	shalt  }
0x60: {  	_ =	shalt  }
0x61: {  	_ =	shalt  }
0x62: {  	_ =	shalt  }
0x63: {  	_ =	shalt  }
0x64: {  	_ =	shalt  }
0x65: {  	_ =	shalt  }
0x66: {  	_ =	shalt  }
0x67: {  	_ =	shalt  }
0x68: {  	_ =	shalt  }
0x69: {  	_ =	shalt  }
0x6a: {  	_ =	shalt  }
0x6b: {  	_ =	shalt  }
0x6c: {  	_ =	shalt  }
0x6d: {  	_ =	shalt  }
0x6e: {  	_ =	shalt  }
0x6f: {  	_ =	shalt  }
0x70: {  	_ =	shalt  }
0x71: {  	_ =	shalt  }
0x72: {  	_ =	shalt  }
0x73: {  	_ =	shalt  }
0x74: {  	_ =	shalt  }
0x75: {  	_ =	shalt  }
0x76: {  	_ =	shalt  }
0x77: {  	_ =	shalt  }
0x78: {  	_ =	shalt  }
0x79: {  	_ =	shalt  }
0x7a: {  	_ =	shalt  }
0x7b: {  	_ =	shalt  }
0x7c: {  	_ =	shalt  }
0x7d: {  	_ =	shalt  }
0x7e: {  	_ =	shalt  }
0x7f: {  	_ =	shalt  }
0x80: {  	_ =	shalt  }
0x81: {  	_ =	shalt  }
0x82: {  	_ =	shalt  }
0x83: {  	_ =	shalt  }
0x84: {  	_ =	shalt  }
0x85: {  	_ =	shalt  }
0x86: {  	_ =	shalt  }
0x87: {  	_ =	shalt  }
.Lfunc_end0:
.L_simem_size_0:
called_computation_lowered:
.L_overlay_start_0:
0x88: {  	s2 =	sld [smem:$0x3FD9]  }
0x89: {  	s3 =	sld [smem:$0x3FFE];
	_ =	sdelay $0x1  }
0x8a: {  	s1 =	srdreg.scid  }
0x8b: {  	s0 =	sand.u32 $0x1, s1  }
0x8c: {  	s17 =	sshll.u32 s0, $0xA;
	s2 =	sadd.s32 s3, s2  }
0x8d: {  	s2 =	sadd.s32 s2, s17  }
0x8e: {  	[smem:$0x3FC4] =	sst s2  }
0x8f: {  	_ = 	snop  }
0x90: {  	s2 =	sld [smem:$0x3FC9]  }
0x91: {  	s18 =	sld [smem:$0x3FD0];
	(tm) =	ssettm $0x1  }
0x92: {  	s4 =	sld [smem:$0x3FFB];
	_ =	sdelay $0x3  }
0x93: {  	_ =	strace s4  }
0x94: {  	s4 =	sld [smem:$0x3FFC];
	_ =	sdelay $0x3  }
0x95: {  	_ =	strace s4  }
0x96: {  	s4 =	sld [smem:$0x3FFD];
	_ =	sdelay $0x3  }
0x97: {  	_ =	strace s4  }
0x98: {  	_ =	strace $0x8FFFFFFF  }
0x99: {  	s19 =	sld [smem:$0x3FDB];
	_ =	sdelay $0x1  }
0x9a: {  	s5 =	simm.s32 $_scs_section_size  }
0x9b: {  	s6 =	simm.s32 $_size__tile_overlayer_lowered;
	s7 =	simm.s32 $_tile_overlayer_lowered  }
0x9c: {  	s22 =	simm.s32 $0x1BFF;
	s21 =	sshll.u32 s7, $0x1;
	s4 =	sadd.s32 s5, s19  }
0x9d: {  	s8 =	simm.s32 $0x0;
	s20 =	sshll.u32 s6, $0x1;
	s6 =	sadd.s32 s21, s4  }
0x9e: {  	[timem:s8], [sflag:s22] =	dma.local [hbm:s6], s20  }
0x9f: {  	_ =	swait.ge [sflag:s22], s20  }
0xa0: {  	s5 =	ssub.s32 $0x0, s20;
	[sflag:s22] =	ssyncset.done $0x0  }
0xa1: {  	[sflag:s22] =	ssyncadd.s32 s5;
	_ =	sdelay $0x1  }
0xa2: {  	s23 =	simm.s32 $0x1B8B  }
0xa3: {  	_ =	swait.ge [sflag:s23], $0x1  }
0xa4: {  	[sflag:s23] =	ssyncset.done $0x0  }
0xa5: {  	s25 =	simm.s32 $0x1B8E;
	s24 =	sld [smem:$0x3FFE];
	[sflag:s23] =	ssyncadd.s32 $0xFFFFFFFF  }
0xa6: {  	s26 =	simm.s32 $execute0_lowered;
	[smem:$0x3FD2] =	sst s25  }
0xa7: {  	s6 =	sshll.u32 s26, $0x1;
	_ =	strace $0x80000046;
	[dreg:$0x1] =	wrdreg $0xFFFFFFFF  }
0xa8: {  	s28 =	simm.s32 $_size_execute0_lowered;
	s4 =	sadd.s32 s4, s6;
	[dreg:$0x0] =	wrdreg $0x0  }
0xa9: {  	s6 =	sshll.u32 s28, $0x1;
	[dreg:$0x2] =	wrdreg s4  }
0xaa: {  	[dreg:$0x3] =	wrdreg s6  }
0xab: {  	[dreg:$0x4] =	wrdreg $0xC0  }
0xac: {  	_ =	task [dreg:s8], $0x5FFFF  }
0xad: {  	[dreg:$0x1] =	wrdreg $0xFFFFFFFF  }
0xae: {  	[dreg:$0x0] =	wrdreg $0x60  }
0xaf: {  	[dreg:$0x2] =	wrdreg s2  }
0xb0: {  	[dreg:$0x3] =	wrdreg s24  }
0xb1: {  	[dreg:$0x4] =	wrdreg s18  }
0xb2: {  	[dreg:$0x5] =	wrdreg $0xA4000  }
0xb3: {  	[dreg:$0x6] =	wrdreg $0x9  }
0xb4: {  	_ =	task.clear_ibuf [dreg:s8], $0x7FFFF;
	_ =	strace $0x90000046  }
0xb5: {  	s29 =	simm.s32 $0x9;
	_ =	strace $0x80000048  }
0xb6: {  	_ =	swait.ge [sflag:s29], $0x1  }
0xb7: {  	[sflag:s29] =	ssyncadd.s32 $0xFFFFFFFF  }
0xb8: {  	_ =	strace $0x90000048  }
0xb9: {  	_ =	sfence  }
0xba: {  	s30 =	sld [smem:$0x0];
	_ =	sdelay $0x2  }
0xbb: {  	s31 =	sshll.u32 s1, $0xD;
	s1 =	sshrl.u32 s1, $0x2  }
0xbc: {  	s3 =	sand.u32 $0x4000, s31;
	s1 =	sadd.s32 s1, s30  }
0xbd: {  	s0 =	sor.u32 s3, s0;
	s1 =	sshll.u32 s1, $0x11  }
0xbe: {  	s0 =	sor.u32 s1, s0  }
0xbf: {  	s0 =	sadd.s32 $0x8F2B, s0  }
0xc0: {  	[sflag:s0] =	ssyncadd.remote.s32 $0x1  }
0xc1: {  	_ =	sfence.sel $0xFFFF  }
0xc2: {  	[dreg:$0x0] =	wrdreg $0xFFFFFFFF;
	(pc) =	sbr.abs _section_cstart, $3  }
0xc3: {  	[dreg:$0x1] =	wrdreg $0xFFFFFFFF  }
0xc4: {  	_ =	task.clear_ibuf [dreg:s8], $0x2FFFF;
	_ =	strace $0x9FFFFFFF  }
0xc5: {  	(tm) =	ssettm $0x7FFFFFFF  }
tec
execute0_lowered:
.L_overlay_start_1:
0x0: {  	(tag) =	ssettag $0x1  }
0x1: {  	s0 =	rddreg [dreg:$0x0]  }
0x2: {  	s1 =	rddreg [dreg:$0x1]  }
0x3: {  	s2 =	srdreg.scid;
	s6 =	stileid.u32  }
0x4: {  	s3 =	rddreg [dreg:$0x2];
	s8 =	smul.u32 $0x14000, s6  }
0x5: {  	s4 =	rddreg [dreg:$0x3];
	s5 =	simm.s32 $0x0;
	s10 =	smul.u32 $0x2710, s6  }
0x6: {  	s29 =	simm.s32 $0xD;
	s30 =	simm.s32 $0x50;
	s25 =	smul.u32 $0x50000, s6  }
0x7: {  	s31 =	simm.s32 $0x400;
	s2 =	sand.u32 $0x1, s2;
	s26 =	smul.u32 $0x2800, s6  }
0x8: {  	s28 =	simm.s32 $0xC;
	[smem:$0x7FF] =	sst s5;
	s7 =	smul.u32 $0x140000, s2  }
0x9: {  	s11 =	sadd.s32 $0xA00, s1;
	p0 =	seq.s32 s6, $0xF;
	s9 =	smul.u32 $0x27100, s2  }
0xa: {  	_ =	strace $0x80000047;
	s2 =	ssub.s32 $0x2, s2;
	[dreg:$0x5] =	wrdreg s11  }
0xb: {  	s18 =	sshrl.u32 s2, $0x1;
	s7 =	sadd.s32 s8, s7;
	s8 =	sadd.s32 s10, s9  }
0xc: {  	s2 =	ssub.s32 s2, s18;
	s7 =	sshrl.u32 s7, $0x3;
	s9 =	sshrl.u32 s8, $0x3  }
0xd: {  	s13 =	sadd.s32 $0x230, s8;
	s14 =	smax.u32 s2, $0x1;
	s17 =	sadd.s32 $0x1E0, s8  }
0xe: {  	s18 =	sadd.s32 $0x190, s8;
	s2 =	simm.s32 $0x200;
	s1 =	sadd.s32 s7, s1  }
0xf: {  	s19 =	sadd.s32 s11, s9;
	s20 =	sadd.s32 $0xA, s9;
	[dreg:$0x11] =	wrdreg s14  }
0x10: {  	s21 =	sadd.s32 s3, s9;
	s23 =	sadd.s32 $0x14, s9;
	[dreg:$0x6] =	wrdreg s19  }
0x11: {  	s9 =	sadd.s32 $0x1E, s9;
	[dreg:$0x7] =	wrdreg s21;
	s22 =	sadd.s32 s11, s20  }
0x12: {  	s15 =	sshrl.u32 s13, $0x3;
	s7 =	sadd.s32 s3, s20;
	[dreg:$0x8] =	wrdreg s22  }
0x13: {  	s13 =	simm.s32 $0x5;
	s24 =	sadd.s32 s11, s23;
	[dreg:$0x9] =	wrdreg s7  }
0x14: {  	s14 =	simm.s32 $0x2;
	s10 =	sadd.s32 s3, s23;
	[dreg:$0xa] =	wrdreg s24  }
0x15: {  	s12 =	sadd.s32 s11, s9;
	s9 =	sadd.s32 s3, s9;
	[dreg:$0xb] =	wrdreg s10  }
0x16: {  	s1 =	sadd.s32 $0xA800, s1;
	s16 =	sadd.s32 s15, s3;
	[dreg:$0xc] =	wrdreg s12  }
0x17: {  	s20 =	sshrl.u32 s17, $0x3;
	s21 =	sshrl.u32 s18, $0x3;
	[dreg:$0xd] =	wrdreg s9  }
0x18: {  	s17 =	simm.s32 $0x3;
	s18 =	simm.s32 $0xB;
	[dreg:$0x10] =	wrdreg s1  }
0x19: {  	s7 =	sshrl.u32 s25, $0x2;
	s12 =	sadd.s32 s0, s26;
	[dreg:$0x12] =	wrdreg s16  }
0x1a: {  	s1 =	sadd.s32 s15, s11;
	s22 =	sadd.s32 s20, s3;
	[dreg:$0xf] =	wrdreg s12  }
0x1b: {  	s23 =	sadd.s32 s21, s3;
	s24 =	sadd.s32 s21, s11;
	[dreg:$0x13] =	wrdreg s1  }
0x1c: {  	s25 =	sadd.s32 $0x140, s8;
	s26 =	sadd.s32 $0x25800, s0;
	[dreg:$0x14] =	wrdreg s22  }
0x1d: {  	s8 =	simm.s32 $0x180;
	s9 =	simm.s32 $0x7C00;
	[dreg:$0x16] =	wrdreg s23  }
0x1e: {  	s10 =	simm.s32 $0x380;
	s16 =	simm.s32 $0xA;
	[dreg:$0x17] =	wrdreg s24  }
.Ltmp0:
0x1f: {  	s3 =	simm.s32 $0x0;
	[dreg:$0x18] =	wrdreg s25;
	(pc) =	sbr.rel .LBB2_1-.Ltmp0, $4  }
0x20: {  	s19 =	sadd.s32 s7, s4;
	s1 =	sadd.s32 s20, s11;
	[dreg:$0x1a] =	wrdreg s26  }
0x21: {  	s11 =	simm.s32 $0x1;
	[dreg:$0x15] =	wrdreg s1;
	s1 =	sadd.s32 $0x12C000, s4  }
0x22: {  	s12 =	simm.s32 $0x9;
	[dreg:$0xe] =	wrdreg s19;
	s1 =	sshrl.u32 @p0 s1, $0x3  }
0x23: {  	s26 =	simm.s32 $0x4;
	s25 =	simm.s32 $0x8;
	[dreg:$0x19] =	wrdreg s1  }
.LBB2_4:
0x24: {  	[spmem:s4] =	stream.indirect.scatter.add.f32 [tilespmem:s9], [sflag:$0xD], $0x80, s10, s30, $0xb8;
	[tilespmem:$0x1E400] =	vst v63  }
0x25: {  	_ =	swait.ge [sflag:s29], $0x2800  }
0x26: {  	[sflag:s29] =	ssyncset.done $0x0  }
0x27: {  	[sflag:s29] =	ssyncadd.s32 $0xFFFFD800  }
0x28: {  	_ =	swait.ge [sflag:s11], $0x2800  }
0x29: {  	[sflag:s11] =	ssyncset.done $0x0  }
0x2a: {  	[sflag:s11] =	ssyncadd.s32 $0xFFFFD800  }
0x2b: {  	_ =	swait.ge [sflag:s12], $0x50  }
0x2c: {  	[sflag:s12] =	ssyncset.done $0x0  }
0x2d: {  	[sflag:s12] =	ssyncadd.s32 $0xFFFFFFB0  }
0x2e: {  	[spmem:s4] =	stream.indirect.scatter.add.f32 [tilespmem:s31], [sflag:$0xD], $0x80, s2, s30, $0xb8;
	[tilespmem:$0x1E400] =	vst v63  }
0x2f: {  	_ =	swait.ge [sflag:s29], $0x2800  }
0x30: {  	[sflag:s29] =	ssyncset.done $0x0  }
0x31: {  	[sflag:s29] =	ssyncadd.s32 $0xFFFFD800  }
0x32: {  	s6 =	stileid.u32;
	[bflag:$0x0] =	sbarrier.arrive $0xFFFF  }
0x33: {  	s1 =	sshll.u32 s6, $0x6;
	s19 =	rddreg [dreg:$0xe]  }
0x34: {  	s1 =	sor.u32 $0x1C0D, s1;
	s7 =	rddreg [dreg:$0x10];
	s3 =	sshrl.u32 s19, $0x3  }
0x35: {  	[hbm:s7], [sflag:s1] =	dma.local [spmem:s3], $0x2800  }
0x36: {  	_ =	swait.ge [sflag:s29], $0x2800  }
0x37: {  	s23 =	rddreg [dreg:$0x1b]  }
0x38: {  	s24 =	rddreg [dreg:$0x11];
	s3 =	sadd.s32 $0x1, s23  }
0x39: {  	p1 =	sne.s32 s3, s24  }
.Ltmp1:
0x3a: {  	_ = 	snop;
	(pc) =	sbr.rel @!p1 .LBB2_5-.Ltmp1, $3  }
0x3b: {  	_ =	sdelay $0x1  }
0x3c: {  	[sflag:s29] =	ssyncset.done $0x0  }
0x3d: {  	[sflag:s29] =	ssyncadd.s32 $0xFFFFD800  }
.LBB2_1:
0x3e: {  	[dreg:$0x1b] =	wrdreg s3  }
0x3f: {  	s1 =	rddreg [dreg:$0x6]  }
0x40: {  	[tilespmem:s5], [sflag:$0xD] =	stream.linear.gather [hbm4b:s1+s5], $0x50, $0x38;
	[tilespmem:$0x1E400] =	vst v63  }
0x41: {  	_ =	swait.ge [sflag:s29], $0x50  }
0x42: {  	[sflag:s29] =	ssyncset.done $0x0  }
0x43: {  	[sflag:s29] =	ssyncadd.s32 $0xFFFFFFB0  }
0x44: {  	[tilespmem:s31], [sflag:$0x1] =	stream.indirect.gather [hbm4b:s0+s30], $0x80, s5, s30, $0xb8;
	[tilespmem:$0x1E400] =	vst v63  }
0x45: {  	s15 =	rddreg [dreg:$0x7]  }
0x46: {  	[tilespmem:s2], [sflag:$0x9] =	stream.linear.gather [hbm4b:s15+s5], $0x50, $0x38;
	[tilespmem:$0x1E400] =	vst v63  }
0x47: {  	s21 =	simm.s32 $0x80;
	s20 =	rddreg [dreg:$0x8]  }
0x48: {  	[tilespmem:s21], [sflag:$0xD] =	stream.linear.gather [hbm4b:s20+s5], $0x50, $0x38;
	[tilespmem:$0x1E400] =	vst v63  }
0x49: {  	_ =	swait.ge [sflag:s29], $0x50  }
0x4a: {  	[sflag:s29] =	ssyncset.done $0x0  }
0x4b: {  	s22 =	simm.s32 $0x2C00;
	[sflag:s29] =	ssyncadd.s32 $0xFFFFFFB0  }
0x4c: {  	[tilespmem:s22], [sflag:$0x2] =	stream.indirect.gather [hbm4b:s0+s30], $0x80, s21, s30, $0xb8;
	[tilespmem:$0x1E400] =	vst v63  }
0x4d: {  	s24 =	simm.s32 $0x280;
	s23 =	rddreg [dreg:$0x9]  }
0x4e: {  	[tilespmem:s24], [sflag:$0xA] =	stream.linear.gather [hbm4b:s23+s5], $0x50, $0x38;
	[tilespmem:$0x1E400] =	vst v63  }
0x4f: {  	s15 =	simm.s32 $0x100;
	s7 =	rddreg [dreg:$0xa]  }
0x50: {  	[tilespmem:s15], [sflag:$0xD] =	stream.linear.gather [hbm4b:s7+s5], $0x50, $0x38;
	[tilespmem:$0x1E400] =	vst v63  }
0x51: {  	_ =	swait.ge [sflag:s29], $0x50  }
0x52: {  	[sflag:s29] =	ssyncset.done $0x0  }
0x53: {  	s20 =	simm.s32 $0x5400;
	[sflag:s29] =	ssyncadd.s32 $0xFFFFFFB0  }
0x54: {  	[tilespmem:s20], [sflag:$0x3] =	stream.indirect.gather [hbm4b:s0+s30], $0x80, s15, s30, $0xb8;
	[tilespmem:$0x1E400] =	vst v63  }
0x55: {  	s22 =	simm.s32 $0x300;
	s21 =	rddreg [dreg:$0xb]  }
0x56: {  	[tilespmem:s22], [sflag:$0xB] =	stream.linear.gather [hbm4b:s21+s5], $0x50, $0x38;
	[tilespmem:$0x1E400] =	vst v63  }
0x57: {  	s23 =	rddreg [dreg:$0xc]  }
0x58: {  	[tilespmem:s8], [sflag:$0xD] =	stream.linear.gather [hbm4b:s23+s5], $0x50, $0x38;
	[tilespmem:$0x1E400] =	vst v63  }
0x59: {  	_ =	swait.ge [sflag:s29], $0x50  }
0x5a: {  	[sflag:s29] =	ssyncset.done $0x0;
	s24 =	rddreg [dreg:$0xd]  }
0x5b: {  	s1 =	rddreg [dreg:$0x19];
	[sflag:s29] =	ssyncadd.s32 $0xFFFFFFB0  }
0x5c: {  	[tilespmem:s9], [sflag:$0x4] =	stream.indirect.gather [hbm4b:s0+s30], $0x80, s8, s30, $0xb8;
	[tilespmem:$0x1E400] =	vst v63  }
0x5d: {  	s7 =	simm.s32 @p0 $0x1FCD;
	s3 =	rddreg [dreg:$0x1a]  }
0x5e: {  	[tilespmem:s10], [sflag:$0xC] =	stream.linear.gather [hbm4b:s24+s5], $0x50, $0x38;
	[tilespmem:$0x1E400] =	vst v63  }
0x5f: {  	[spmem:s1], [sflag:s7] =	dma.local @p0 [hbm:s3], $0x1900  }
0x60: {  	s7 =	simm.s32 @p0 $0xD  }
0x61: {  	_ =	swait.ge @p0 [sflag:s7], $0x1900  }
0x62: {  	s15 =	sshll.u32 @!p0 s6, $0x6;
	[sflag:s7] =	ssyncset.done @p0 $0x0;
	s1 =	rddreg [dreg:$0xf]  }
0x63: {  	[sflag:s7] =	ssyncadd.s32 @p0 $0xFFFFE700;
	s7 =	sor.u32 @!p0 $0x1C0D, s15;
	s15 =	sshrl.u32 @!p0 s19, $0x3  }
0x64: {  	[spmem:s15], [sflag:s7] =	dma.local @!p0 [hbm:s1], $0x2800  }
0x65: {  	s7 =	simm.s32 @!p0 $0xD  }
0x66: {  	_ =	swait.ge @!p0 [sflag:s7], $0x2800  }
0x67: {  	[sflag:s7] =	ssyncset.done @!p0 $0x0  }
0x68: {  	[sflag:s7] =	ssyncadd.s32 @!p0 $0xFFFFD800  }
0x69: {  	[bflag:$0x0] =	sbarrier.arrive $0xFFFF  }
0x6a: {  	s15 =	simm.s32 $0x0;
	s7 =	rddreg [dreg:$0x18]  }
.LBB2_2:
0x6b: {  	_ =	swait.ge [sflag:s11], $0x2800  }
0x6c: {  	[sflag:s11] =	ssyncset.done $0x0  }
0x6d: {  	[sflag:s11] =	ssyncadd.s32 $0xFFFFD800  }
0x6e: {  	_ =	swait.ge [sflag:s12], $0x50  }
0x6f: {  	s1 =	sshrl.u32 s7, $0x3;
	[sflag:s12] =	ssyncset.done $0x0;
	s3 =	rddreg [dreg:$0x5]  }
0x70: {  	[sflag:s12] =	ssyncadd.s32 $0xFFFFFFB0;
	s3 =	sadd.s32 s3, s1  }
0x71: {  	[tilespmem:s5], [sflag:$0x5] =	stream.linear.gather [hbm4b:s3+s5], $0x50, $0x38;
	[tilespmem:$0x1E400] =	vst v63  }
0x72: {  	_ = 	snop  }
0x73: {  	[spmem:s4] =	stream.indirect.scatter.add.f32 [tilespmem:s31], [sflag:$0xD], $0x80, s2, s30, $0xb8;
	[tilespmem:$0x1E400] =	vst v63  }
0x74: {  	_ =	swait.ge [sflag:s29], $0x2800  }
0x75: {  	[sflag:s29] =	ssyncset.done $0x0  }
0x76: {  	[sflag:s29] =	ssyncadd.s32 $0xFFFFD800  }
0x77: {  	_ =	swait.ge [sflag:s13], $0x50  }
0x78: {  	[sflag:s13] =	ssyncset.done $0x0  }
0x79: {  	[sflag:s13] =	ssyncadd.s32 $0xFFFFFFB0  }
0x7a: {  	[tilespmem:s31], [sflag:$0x1] =	stream.indirect.gather [hbm4b:s0+s30], $0x80, s5, s30, $0xb8;
	[tilespmem:$0x1E400] =	vst v63  }
0x7b: {  	s24 =	rddreg [dreg:$0x2]  }
0x7c: {  	s1 =	sadd.s32 s24, s1  }
0x7d: {  	[tilespmem:s2], [sflag:$0x9] =	stream.linear.gather [hbm4b:s1+s5], $0x50, $0x38;
	[tilespmem:$0x1E400] =	vst v63  }
0x7e: {  	_ =	swait.ge [sflag:s14], $0x2800  }
0x7f: {  	[sflag:s14] =	ssyncset.done $0x0  }
0x80: {  	[sflag:s14] =	ssyncadd.s32 $0xFFFFD800  }
0x81: {  	p1 =	seq.s32 s15, $0x4B0;
	_ =	swait.ge [sflag:s16], $0x50  }
0x82: {  	s6 =	simm.s32 @p1 $0x2C00;
	[sflag:s16] =	ssyncset.done $0x0  }
0x83: {  	s3 =	simm.s32 @p1 $0x280;
	s1 =	simm.s32 @p1 $0x50;
	[sflag:s16] =	ssyncadd.s32 $0xFFFFFFB0  }
0x84: {  	[spmem:s4] =	stream.indirect.scatter.add.f32 @p1 [tilespmem:s6], [sflag:$0xD], $0x80, s3, s1, $0xb8;
	[tilespmem:$0x1E400] =	vst v63  }
0x85: {  	s3 =	simm.s32 @p1 $0xD  }
0x86: {  	s19 =	simm.s32 @!p1 $0x0;
	_ =	swait.ge @p1 [sflag:s3], $0x2800  }
0x87: {  	s20 =	simm.s32 @!p1 $0x80;
	[sflag:s3] =	ssyncset.done @p1 $0x0;
	s6 =	rddreg [dreg:$0x17]  }
0x88: {  	s21 =	simm.s32 @!p1 $0x280;
	[sflag:s3] =	ssyncadd.s32 @p1 $0xFFFFD800;
	s6 =	sadd.s32 @!p1 s15, s6  }
0x89: {  	[tilespmem:s20], [sflag:$0x6] =	stream.linear.gather @!p1 [hbm4b:s6+s19], $0x50, $0x38;
	[tilespmem:$0x1E400] =	vst v63  }
0x8a: {  	s22 =	simm.s32 @!p1 $0x2C00;
	s23 =	simm.s32 @!p1 $0xD;
	s6 =	simm.s32 @!p1 $0x50  }
0x8b: {  	[spmem:s4] =	stream.indirect.scatter.add.f32 @!p1 [tilespmem:s22], [sflag:$0xD], $0x80, s21, s6, $0xb8;
	[tilespmem:$0x1E400] =	vst v63  }
0x8c: {  	_ =	swait.ge @!p1 [sflag:s23], $0x2800  }
0x8d: {  	[sflag:s23] =	ssyncset.done @!p1 $0x0  }
0x8e: {  	s24 =	simm.s32 @!p1 $0x6;
	[sflag:s23] =	ssyncadd.s32 @!p1 $0xFFFFD800  }
0x8f: {  	_ =	swait.ge @!p1 [sflag:s24], $0x50  }
0x90: {  	[sflag:s24] =	ssyncset.done @!p1 $0x0  }
0x91: {  	[sflag:s24] =	ssyncadd.s32 @!p1 $0xFFFFFFB0  }
0x92: {  	[tilespmem:s22], [sflag:$0x2] =	stream.indirect.gather @!p1 [hbm4b:s0+s6], $0x80, s20, s6, $0xb8;
	[tilespmem:$0x1E400] =	vst v63  }
0x93: {  	s20 =	rddreg [dreg:$0x16]  }
0x94: {  	s20 =	sadd.s32 @!p1 s15, s20  }
0x95: {  	[tilespmem:s21], [sflag:$0xA] =	stream.linear.gather @!p1 [hbm4b:s20+s19], $0x50, $0x38;
	[tilespmem:$0x1E400] =	vst v63  }
0x96: {  	_ =	swait.ge [sflag:s17], $0x2800  }
0x97: {  	[sflag:s17] =	ssyncset.done $0x0  }
0x98: {  	[sflag:s17] =	ssyncadd.s32 $0xFFFFD800  }
0x99: {  	_ =	swait.ge [sflag:s18], $0x50  }
0x9a: {  	[sflag:s18] =	ssyncset.done $0x0  }
0x9b: {  	s20 =	simm.s32 @p1 $0x300;
	s21 =	simm.s32 @p1 $0x5400;
	[sflag:s18] =	ssyncadd.s32 $0xFFFFFFB0  }
0x9c: {  	[spmem:s4] =	stream.indirect.scatter.add.f32 @p1 [tilespmem:s21], [sflag:$0xD], $0x80, s20, s1, $0xb8;
	[tilespmem:$0x1E400] =	vst v63  }
0x9d: {  	_ =	swait.ge @p1 [sflag:s3], $0x2800  }
0x9e: {  	[sflag:s3] =	ssyncset.done @p1 $0x0;
	s1 =	rddreg [dreg:$0x15]  }
0x9f: {  	[sflag:s3] =	ssyncadd.s32 @p1 $0xFFFFD800;
	s1 =	sadd.s32 @!p1 s15, s1;
	s3 =	simm.s32 @!p1 $0x100  }
0xa0: {  	[tilespmem:s3], [sflag:$0x7] =	stream.linear.gather @!p1 [hbm4b:s1+s19], $0x50, $0x38;
	[tilespmem:$0x1E400] =	vst v63  }
0xa1: {  	s20 =	simm.s32 @!p1 $0x5400;
	s1 =	simm.s32 @!p1 $0x300  }
0xa2: {  	[spmem:s4] =	stream.indirect.scatter.add.f32 @!p1 [tilespmem:s20], [sflag:$0xD], $0x80, s1, s6, $0xb8;
	[tilespmem:$0x1E400] =	vst v63  }
0xa3: {  	_ =	swait.ge @!p1 [sflag:s23], $0x2800  }
0xa4: {  	[sflag:s23] =	ssyncset.done @!p1 $0x0  }
0xa5: {  	s21 =	simm.s32 @!p1 $0x7;
	[sflag:s23] =	ssyncadd.s32 @!p1 $0xFFFFD800  }
0xa6: {  	_ =	swait.ge @!p1 [sflag:s21], $0x50  }
0xa7: {  	[sflag:s21] =	ssyncset.done @!p1 $0x0  }
0xa8: {  	[sflag:s21] =	ssyncadd.s32 @!p1 $0xFFFFFFB0  }
0xa9: {  	[tilespmem:s20], [sflag:$0x3] =	stream.indirect.gather @!p1 [hbm4b:s0+s6], $0x80, s3, s6, $0xb8;
	[tilespmem:$0x1E400] =	vst v63  }
0xaa: {  	s3 =	rddreg [dreg:$0x14]  }
0xab: {  	s3 =	sadd.s32 @!p1 s15, s3  }
0xac: {  	[tilespmem:s1], [sflag:$0xB] =	stream.linear.gather @!p1 [hbm4b:s3+s19], $0x50, $0x38;
	[tilespmem:$0x1E400] =	vst v63  }
0xad: {  	_ =	swait.ge [sflag:s26], $0x2800  }
.Ltmp2:
0xae: {  	[sflag:s26] =	ssyncset.done $0x0;
	(pc) =	sbr.rel @p1 .LBB2_4-.Ltmp2, $4  }
0xaf: {  	[sflag:s26] =	ssyncadd.s32 $0xFFFFD800  }
0xb0: {  	_ =	swait.ge [sflag:s28], $0x50  }
0xb1: {  	[sflag:s28] =	ssyncset.done $0x0  }
0xb2: {  	[sflag:s28] =	ssyncadd.s32 $0xFFFFFFB0  }
0xb3: {  	s1 =	rddreg [dreg:$0x13]  }
0xb4: {  	s1 =	sadd.s32 s15, s1  }
0xb5: {  	[tilespmem:s8], [sflag:$0x8] =	stream.linear.gather [hbm4b:s1+s5], $0x50, $0x38;
	[tilespmem:$0x1E400] =	vst v63  }
0xb6: {  	_ = 	snop  }
0xb7: {  	[spmem:s4] =	stream.indirect.scatter.add.f32 [tilespmem:s9], [sflag:$0xD], $0x80, s10, s30, $0xb8;
	[tilespmem:$0x1E400] =	vst v63  }
0xb8: {  	_ =	swait.ge [sflag:s29], $0x2800  }
0xb9: {  	[sflag:s29] =	ssyncset.done $0x0  }
0xba: {  	[sflag:s29] =	ssyncadd.s32 $0xFFFFD800  }
0xbb: {  	_ =	swait.ge [sflag:s25], $0x50  }
.Ltmp3:
0xbc: {  	[sflag:s25] =	ssyncset.done $0x0;
	(pc) =	sbr.rel .LBB2_2-.Ltmp3, $4  }
0xbd: {  	s24 =	rddreg [dreg:$0x12];
	[sflag:s25] =	ssyncadd.s32 $0xFFFFFFB0  }
0xbe: {  	[tilespmem:s9], [sflag:$0x4] =	stream.indirect.gather [hbm4b:s0+s30], $0x80, s8, s30, $0xb8;
	[tilespmem:$0x1E400] =	vst v63  }
0xbf: {  	s7 =	sadd.s32 $0x140, s7;
	s1 =	sadd.s32 s15, s24;
	s15 =	sadd.s32 $0x28, s15  }
0xc0: {  	[tilespmem:s10], [sflag:$0xC] =	stream.linear.gather [hbm4b:s1+s5], $0x50, $0x38;
	[tilespmem:$0x1E400] =	vst v63  }
.LBB2_5:
0xc1: {  	_ =	sfence.sel $0x180000  }
0xc2: {  	[bflag:$0x0] =	sbarrier.arrive $0xFFFF  }
0xc3: {  	_ =	strace $0x90000047  }
0xc4: {  	[bflag:$0x2] =	sbarrier.arrive $0xFFFF  }
0xc5: {  	p0 =	sne.s32 s6, $0x0;
	s0 =	rddreg [dreg:$0x4]  }
0xc6: {  	s0 =	sadd.s32 @!p0 $0x100000, s0  }
0xc7: {  	[sflag:s0] =	ssyncadd.tile.s32 @!p0 $0x1;
	_ =	shalt  }
.Lfunc_end2:
_tile_overlayer_lowered:
.L_overlay_start_2:
0xc8: {  	(tag) =	ssettag $0x2  }
0xc9: {  	s0 =	rddreg [dreg:$0x0];
	s2 =	stileid.u32  }
0xca: {  	s1 =	rddreg [dreg:$0x1];
	p0 =	sne.s32 s2, $0x0  }
0xcb: {  	s3 =	rddreg [dreg:$0x2];
	[bflag:$0x3] =	sbarrier.arrive $0xFFFF;
	s2 =	simm.s32 @!p0 $0x1C0D  }
0xcc: {  	[timem:s3], [sflag:s2] =	dma.local @!p0 [hbm:s0], s1  }
0xcd: {  	s0 =	simm.s32 @!p0 $0xD  }
0xce: {  	_ =	swait.ge @!p0 [sflag:s0], s1  }
0xcf: {  	s1 =	ssub.s32 @!p0 $0x0, s1;
	[sflag:s0] =	ssyncset.done @!p0 $0x0  }
0xd0: {  	[sflag:s0] =	ssyncadd.s32 @!p0 s1  }
0xd1: {  	[bflag:$0x3] =	sbarrier.arrive $0xFFFF  }
0xd2: {  	_ =	shalt  }

</sc_bundles>
